<compile_context>
chip_gen: v7x
topology: tpu7x:2x2x1
jax: 0.10.2.dev20260603
libtpu: 0.0.44.dev20260713+nightly
codegen_flags: <defaults>
</compile_context>

<pallas_src>
import functools

import jax
import jax.numpy as jnp
from jax import lax
from jax.experimental import pallas as pl
from jax.experimental.pallas import tpu as pltpu
from jax.experimental.pallas import tpu_sc as plsc

N = 10000
D = 256
E = 160000

NC = 2
NS = 16
CH = 128
E_PAD = 163840
CHUNKS = E_PAD // CH
CPT = CHUNKS // NS
NG = 2
GC = CPT // NG
RA = 10240
RPT = RA // NS
XROWS = 2 * RA
BLK = 400
NBLK = N // BLK

_mesh = plsc.VectorSubcoreMesh(core_axis_name="c", subcore_axis_name="s")


@functools.partial(
    pl.kernel,
    out_type=jax.ShapeDtypeStruct((2, RA, 128), jnp.float32),
    mesh=_mesh,
    scratch_types=[
        pltpu.VMEM((CPT, CH), jnp.int32),
        pltpu.VMEM((CH, 128), jnp.float32),
        pltpu.VMEM_SHARED((RA, 128), jnp.float32),
        pltpu.SemaphoreType.DMA,
    ],
)
def _deg_kernel(e_hbm, ones_hbm, zer_hbm, out_hbm, idx_v, ones_v, acc, sem):
    c = lax.axis_index("c")
    s = lax.axis_index("s")
    pltpu.sync_copy(ones_hbm, ones_v)
    pltpu.sync_copy(zer_hbm, acc.at[pl.ds(s * RPT, RPT)])
    pltpu.sync_copy(e_hbm.at[c, pl.ds(s * CPT, CPT)], idx_v)
    plsc.subcore_barrier()

    def body(j, carry):
        pltpu.sync_copy(ones_v, acc.at[idx_v.at[j]], add=True)
        return carry

    lax.fori_loop(0, CPT, body, 0)
    plsc.subcore_barrier()
    pltpu.sync_copy(acc.at[pl.ds(s * RPT, RPT)],
                    out_hbm.at[c, pl.ds(s * RPT, RPT)])


@functools.partial(
    pl.kernel,
    out_type=jax.ShapeDtypeStruct((2, RA, 128), jnp.float32),
    mesh=_mesh,
    scratch_types=[
        pltpu.VMEM((GC, CH), jnp.int32),
        pltpu.VMEM((GC, CH), jnp.int32),
        pltpu.VMEM((CH, 128), jnp.float32),
        pltpu.VMEM((CH, 128), jnp.float32),
        pltpu.VMEM_SHARED((RA, 128), jnp.float32),
        pltpu.SemaphoreType.DMA,
        pltpu.SemaphoreType.DMA,
    ],
)
def _agg_kernel(sidx_hbm, didx_hbm, xs_hbm, zer_hbm, out_hbm,
                sv, dv, ra, rb, acc, sem_a, sem_b):
    c = lax.axis_index("c")
    s = lax.axis_index("s")
    pltpu.sync_copy(zer_hbm, acc.at[pl.ds(s * RPT, RPT)])
    plsc.subcore_barrier()
    for g in range(NG):
        base = s * CPT + g * GC
        pltpu.sync_copy(sidx_hbm.at[c, pl.ds(base, GC)], sv)
        pltpu.sync_copy(didx_hbm.at[pl.ds(base, GC)], dv)
        pltpu.async_copy(xs_hbm.at[sv.at[0]], ra, sem_a)

        def body(p, carry):
            j = 2 * p
            pltpu.async_copy(xs_hbm.at[sv.at[j + 1]], rb, sem_b)
            pltpu.make_async_copy(xs_hbm.at[sv.at[0]], ra, sem_a).wait()
            pltpu.sync_copy(ra, acc.at[dv.at[j]], add=True)

            @pl.when(p + 1 < GC // 2)
            def _():
                pltpu.async_copy(xs_hbm.at[sv.at[j + 2]], ra, sem_a)

            pltpu.make_async_copy(xs_hbm.at[sv.at[0]], rb, sem_b).wait()
            pltpu.sync_copy(rb, acc.at[dv.at[j + 1]], add=True)
            return carry

        lax.fori_loop(0, GC // 2, body, 0)
    plsc.subcore_barrier()
    pltpu.sync_copy(acc.at[pl.ds(s * RPT, RPT)],
                    out_hbm.at[c, pl.ds(s * RPT, RPT)])


def _prep_body(x_ref, dego_ref, xs_ref):
    ns = lax.rsqrt(jnp.maximum(dego_ref[...], 1.0))
    xs_ref[...] = (x_ref[...] * ns).reshape(2 * BLK, 128)


def _l1_body(a0_ref, a1_ref, degi_ref, dego_ref, w_ref, b_ref, h_ref,
             hs_ref):
    nd = lax.rsqrt(jnp.maximum(degi_ref[...], 1.0))
    a0 = a0_ref[0] * nd
    a1 = a1_ref[0] * nd
    acc = jnp.dot(a0, w_ref[0:128, :], preferred_element_type=jnp.float32)
    acc = acc + jnp.dot(a1, w_ref[128:256, :],
                        preferred_element_type=jnp.float32)
    h = jnp.maximum(acc + b_ref[...], 0.0)
    h_ref[...] = h
    ns = lax.rsqrt(jnp.maximum(dego_ref[...], 1.0))
    hs_ref[...] = (h * ns).reshape(2 * BLK, 128)


def _l2_body(a0_ref, a1_ref, degi_ref, w_ref, b_ref, h_ref):
    nd = lax.rsqrt(jnp.maximum(degi_ref[...], 1.0))
    a0 = a0_ref[0] * nd
    a1 = a1_ref[0] * nd
    acc = jnp.dot(a0, w_ref[0:128, :], preferred_element_type=jnp.float32)
    acc = acc + jnp.dot(a1, w_ref[128:256, :],
                        preferred_element_type=jnp.float32)
    h_ref[...] = acc + b_ref[...]


_D1_SPEC = pl.BlockSpec((BLK, 1), lambda i: (i, 0))
_FLAT_SPEC = pl.BlockSpec((2 * BLK, 128), lambda i: (i, 0))
_A0_SPEC = pl.BlockSpec((1, BLK, 128), lambda i: (0, i, 0))
_A1_SPEC = pl.BlockSpec((1, BLK, 128), lambda i: (1, i, 0))
_ROW_SPEC = pl.BlockSpec((BLK, D), lambda i: (i, 0))
_W_SPEC = pl.BlockSpec((D, D), lambda i: (0, 0))
_B_SPEC = pl.BlockSpec((1, D), lambda i: (0, 0))


def _prep(x, deg_out):
    return pl.pallas_call(
        _prep_body,
        grid=(NBLK,),
        in_specs=[_ROW_SPEC, _D1_SPEC],
        out_specs=_FLAT_SPEC,
        out_shape=jax.ShapeDtypeStruct((XROWS, 128), jnp.float32),
    )(x, deg_out)


def _layer1(agg, deg_in, deg_out, w, b):
    return pl.pallas_call(
        _l1_body,
        grid=(NBLK,),
        in_specs=[_A0_SPEC, _A1_SPEC, _D1_SPEC, _D1_SPEC, _W_SPEC, _B_SPEC],
        out_specs=[_ROW_SPEC, _FLAT_SPEC],
        out_shape=[
            jax.ShapeDtypeStruct((N, D), jnp.float32),
            jax.ShapeDtypeStruct((XROWS, 128), jnp.float32),
        ],
    )(agg, agg, deg_in, deg_out, w, b)


def _layer2(agg, deg_in, w, b):
    return pl.pallas_call(
        _l2_body,
        grid=(NBLK,),
        in_specs=[_A0_SPEC, _A1_SPEC, _D1_SPEC, _W_SPEC, _B_SPEC],
        out_specs=_ROW_SPEC,
        out_shape=jax.ShapeDtypeStruct((N, D), jnp.float32),
    )(agg, agg, deg_in, w, b)


def kernel(x, edge_index, W1, b1, W2, b2):
    src = edge_index[0].astype(jnp.int32)
    dst = edge_index[1].astype(jnp.int32)
    pad = E_PAD - E
    fill = jnp.full((pad,), N, jnp.int32)
    src_p = jnp.concatenate([src, fill])
    dst_p = jnp.concatenate([dst, fill])
    e2d = jnp.stack([src_p, dst_p]).reshape(2, CHUNKS, CH)
    srcg = jnp.stack([2 * src_p, 2 * src_p + 1]).reshape(2, CHUNKS, CH)
    dstg = dst_p.reshape(CHUNKS, CH)
    ones_c = jnp.ones((CH, 128), jnp.float32)
    zer_acc = jnp.zeros((RPT, 128), jnp.float32)
    b1r = b1.reshape(1, D)
    b2r = b2.reshape(1, D)

    deg = _deg_kernel(e2d, ones_c, zer_acc)
    deg_out = deg[0, :, 0:1]
    deg_in = deg[1, :, 0:1]
    xs = _prep(x, deg_out)
    agg1 = _agg_kernel(srcg, dstg, xs, zer_acc)
    h1, h1s = _layer1(agg1, deg_in, deg_out, W1, b1r)
    agg2 = _agg_kernel(srcg, dstg, h1s, zer_acc)
    h2 = _layer2(agg2, deg_in, W2, b2r)
    return (x, h1, h2)

# --- scband reference (transcript-rebuilt; emitter-appended) ---
"""Pipeline reference for scband-gcn-59313498358223 (READ-ONLY COPY).

The authoritative reference and input builder live on the scoring server;
editing this copy changes nothing except your own understanding.
"""

import jax, jax.numpy as jnp
import numpy as np

N = 10000
E = 160000
D = 256


def setup_inputs(seed: int = 0) -> dict:
    key = jax.random.key(seed)
    ks = jax.random.split(key, 6)
    x = jax.random.normal(ks[0], (N, D), dtype=jnp.float32)
    edge_index = jax.random.randint(ks[1], (2, E), 0, N, dtype=jnp.int32)
    s = 1.0 / np.sqrt(D)
    W1 = jax.random.normal(ks[2], (D, D), dtype=jnp.float32) * s
    b1 = jnp.zeros((D,), dtype=jnp.float32)
    W2 = jax.random.normal(ks[3], (D, D), dtype=jnp.float32) * s
    b2 = jnp.zeros((D,), dtype=jnp.float32)
    return {"x": x, "edge_index": edge_index, "W1": W1, "b1": b1, "W2": W2, "b2": b2}


def _graph_conv(h, src, dst, norm_src, norm_dst, W, b):
    # DGL GraphConv with norm='both': h * d_out^{-1/2} -> sum-aggregate -> * d_in^{-1/2} -> linear
    h = h * norm_src[:, None]
    msg = jnp.take(h, src, axis=0)
    agg = jax.ops.segment_sum(msg, dst, num_segments=N)
    agg = agg * norm_dst[:, None]
    return agg @ W + b


def reference(x, edge_index, W1, b1, W2, b2):
    src = edge_index[0]
    dst = edge_index[1]
    deg_out = jnp.clip(jnp.bincount(src, length=N), 1, None).astype(jnp.float32)
    deg_in = jnp.clip(jnp.bincount(dst, length=N), 1, None).astype(jnp.float32)
    norm_src = deg_out ** -0.5
    norm_dst = deg_in ** -0.5
    results = [x]
    h = _graph_conv(x, src, dst, norm_src, norm_dst, W1, b1)
    # intermediate layer: activation (relu) then dropout with p=0.0 (identity)
    h = jax.nn.relu(h)
    results.append(h)
    h = _graph_conv(h, src, dst, norm_src, norm_dst, W2, b2)
    results.append(h)
    return tuple(results)

if __name__ == "__main__":
    import jax
    _d = setup_inputs()
    print(jax.jit(kernel)(*tuple(_d.values())))

</pallas_src>

<mosaic_0001>
#map = affine_map<(d0, d1) -> (0, 0, 0)>
#map1 = affine_map<(d0, d1) -> (0, 0)>
module attributes {stable_mosaic.version = 14 : i64} {
  func.func @_deg_kernel(%arg0: i32, %arg1: i32, %arg2: memref<2x1280x128xi32, #tpu.memory_space<hbm>>, %arg3: memref<128x128xf32, #tpu.memory_space<hbm>>, %arg4: memref<640x128xf32, #tpu.memory_space<hbm>>, %arg5: memref<2x10240x128xf32, #tpu.memory_space<hbm>>, %arg6: memref<80x128xi32, #tpu.memory_space<vmem>>, %arg7: memref<128x128xf32, #tpu.memory_space<vmem>>, %arg8: memref<10240x128xf32, #tpu.memory_space<vmem_shared>>, %arg9: memref<!tpu.dma_semaphore, #tpu.memory_space<semaphore_mem>>) attributes {dimension_semantics = [#tpu.dimension_semantics<core_parallel>, #tpu.dimension_semantics<subcore_parallel>], iteration_bounds = array<i64: 2, 16>, scalar_prefetch = 0 : i64, scratch_operands = 4 : i64, tpu.core_type = #tpu.core_type<sc_vector_subcore>, window_params = [{transform_indices = #map}, {transform_indices = #map1}, {transform_indices = #map1}, {transform_indices = #map}]} {
    "tpu.region"() ({
      %run_scoped3A = tpu.sem_alloc : memref<!tpu.dma_semaphore, #tpu.memory_space<semaphore_mem>>
      tpu.enqueue_dma source(%arg3 : memref<128x128xf32, #tpu.memory_space<hbm>>) target(%arg7 : memref<128x128xf32, #tpu.memory_space<vmem>>) target_semaphore(%run_scoped3A : memref<!tpu.dma_semaphore, #tpu.memory_space<semaphore_mem>>)
      tpu.wait_dma2 semaphore(%run_scoped3A : memref<!tpu.dma_semaphore, #tpu.memory_space<semaphore_mem>>) src(%arg3 : memref<128x128xf32, #tpu.memory_space<hbm>>) dst(%arg7 : memref<128x128xf32, #tpu.memory_space<vmem>>)
      tpu.yield
    }) : () -> ()
    %mul3A = arith.constant 640 : i32
    %mul3A_0 = arith.muli %arg1, %mul3A : i32
    "tpu.region"() ({
      %run_scoped3A = tpu.sem_alloc : memref<!tpu.dma_semaphore, #tpu.memory_space<semaphore_mem>>
      %dma_start3A = arith.constant 0 : i32
      %dma_start3A_13 = tpu.memref_slice %arg8[%mul3A_0, %dma_start3A] : memref<10240x128xf32, #tpu.memory_space<vmem_shared>> -> memref<640x128xf32, #tpu.memory_space<vmem_shared>>
      tpu.enqueue_dma source(%arg4 : memref<640x128xf32, #tpu.memory_space<hbm>>) target(%dma_start3A_13 : memref<640x128xf32, #tpu.memory_space<vmem_shared>>) target_semaphore(%run_scoped3A : memref<!tpu.dma_semaphore, #tpu.memory_space<semaphore_mem>>)
      %dma_wait3A = arith.constant 0 : i32
      %dma_wait3A_14 = tpu.memref_slice %arg8[%mul3A_0, %dma_wait3A] : memref<10240x128xf32, #tpu.memory_space<vmem_shared>> -> memref<640x128xf32, #tpu.memory_space<vmem_shared>>
      tpu.wait_dma2 semaphore(%run_scoped3A : memref<!tpu.dma_semaphore, #tpu.memory_space<semaphore_mem>>) src(%arg4 : memref<640x128xf32, #tpu.memory_space<hbm>>) dst(%dma_wait3A_14 : memref<640x128xf32, #tpu.memory_space<vmem_shared>>)
      tpu.yield
    }) : () -> ()
    %mul3A_1 = arith.constant 80 : i32
    %mul3A_2 = arith.muli %arg1, %mul3A_1 : i32
    "tpu.region"() ({
      %run_scoped3A = tpu.sem_alloc : memref<!tpu.dma_semaphore, #tpu.memory_space<semaphore_mem>>
      %dma_start3A = arith.constant 0 : i32
      %dma_start3A_13 = tpu.memref_slice %arg2[%arg0, %mul3A_2, %dma_start3A] : memref<2x1280x128xi32, #tpu.memory_space<hbm>> -> memref<1x80x128xi32, #tpu.memory_space<hbm>>
      %dma_start3A_14 = tpu.memref_squeeze %dma_start3A_13 : memref<1x80x128xi32, #tpu.memory_space<hbm>> -> memref<80x128xi32, #tpu.memory_space<hbm>>
      %dma_start3A_15 = arith.constant 0 : i32
      %dma_start3A_16 = tpu.memref_slice %arg2[%arg0, %mul3A_2, %dma_start3A_15] : memref<2x1280x128xi32, #tpu.memory_space<hbm>> -> memref<1x80x128xi32, #tpu.memory_space<hbm>>
      %dma_start3A_17 = tpu.memref_squeeze %dma_start3A_16 : memref<1x80x128xi32, #tpu.memory_space<hbm>> -> memref<80x128xi32, #tpu.memory_space<hbm>>
      tpu.enqueue_dma source(%dma_start3A_17 : memref<80x128xi32, #tpu.memory_space<hbm>>) target(%arg6 : memref<80x128xi32, #tpu.memory_space<vmem>>) target_semaphore(%run_scoped3A : memref<!tpu.dma_semaphore, #tpu.memory_space<semaphore_mem>>)
      %dma_wait3A = arith.constant 0 : i32
      %dma_wait3A_18 = tpu.memref_slice %arg2[%arg0, %mul3A_2, %dma_wait3A] : memref<2x1280x128xi32, #tpu.memory_space<hbm>> -> memref<1x80x128xi32, #tpu.memory_space<hbm>>
      %dma_wait3A_19 = tpu.memref_squeeze %dma_wait3A_18 : memref<1x80x128xi32, #tpu.memory_space<hbm>> -> memref<80x128xi32, #tpu.memory_space<hbm>>
      %dma_wait3A_20 = arith.constant 0 : i32
      %dma_wait3A_21 = tpu.memref_slice %arg2[%arg0, %mul3A_2, %dma_wait3A_20] : memref<2x1280x128xi32, #tpu.memory_space<hbm>> -> memref<1x80x128xi32, #tpu.memory_space<hbm>>
      %dma_wait3A_22 = tpu.memref_squeeze %dma_wait3A_21 : memref<1x80x128xi32, #tpu.memory_space<hbm>> -> memref<80x128xi32, #tpu.memory_space<hbm>>
      tpu.wait_dma2 semaphore(%run_scoped3A : memref<!tpu.dma_semaphore, #tpu.memory_space<semaphore_mem>>) src(%dma_wait3A_22 : memref<80x128xi32, #tpu.memory_space<hbm>>) dst(%arg6 : memref<80x128xi32, #tpu.memory_space<vmem>>)
      tpu.yield
    }) : () -> ()
    %barrier3A = arith.constant 0 : index
    tpu.barrier barrier_id(%barrier3A)
    %scan3A = arith.constant 0 : i32
    %scan3A_3 = arith.constant 0 : i32
    %scan3A_4 = arith.constant 80 : i32
    %scan3A_5 = arith.addi %scan3A_3, %scan3A_4 : i32
    %scan3A_6 = arith.constant 1 : i32
    scf.for %scan3A_13 = %scan3A_3 to %scan3A_5 step %scan3A_6  : i32 {
      "tpu.region"() ({
        %run_scoped3A = tpu.sem_alloc : memref<!tpu.dma_semaphore, #tpu.memory_space<semaphore_mem>>
        %dma_start3A = arith.constant 0 : i32
        %dma_start3A_14 = tpu.memref_slice %arg6[%scan3A_13, %dma_start3A] : memref<80x128xi32, #tpu.memory_space<vmem>> -> memref<1x128xi32, #tpu.memory_space<vmem>>
        %dma_start3A_15 = tpu.memref_squeeze %dma_start3A_14 : memref<1x128xi32, #tpu.memory_space<vmem>> -> memref<128xi32, #tpu.memory_space<vmem>>
        %dma_start3A_16 = arith.constant 0 : i32
        %dma_start3A_17 = arith.constant 0 : i32
        %dma_start3A_18 = tpu.memref_slice %arg8[%dma_start3A_16, %dma_start3A_17] : memref<10240x128xf32, #tpu.memory_space<vmem_shared>> -> memref<10240x128xf32, #tpu.memory_space<vmem_shared>>
        tpu.enqueue_indirect_dma source(%arg7 : memref<128x128xf32, #tpu.memory_space<vmem>>) target(%dma_start3A_18 : memref<10240x128xf32, #tpu.memory_space<vmem_shared>>) offsets(%dma_start3A_15 : memref<128xi32, #tpu.memory_space<vmem>>) semaphore(%run_scoped3A : memref<!tpu.dma_semaphore, #tpu.memory_space<semaphore_mem>>) {add = true}
        %dma_wait3A = arith.constant 0 : i32
        %dma_wait3A_19 = tpu.memref_slice %arg6[%scan3A_13, %dma_wait3A] : memref<80x128xi32, #tpu.memory_space<vmem>> -> memref<1x128xi32, #tpu.memory_space<vmem>>
        %dma_wait3A_20 = tpu.memref_squeeze %dma_wait3A_19 : memref<1x128xi32, #tpu.memory_space<vmem>> -> memref<128xi32, #tpu.memory_space<vmem>>
        %dma_wait3A_21 = arith.constant 0 : i32
        %dma_wait3A_22 = arith.constant 0 : i32
        %dma_wait3A_23 = tpu.memref_slice %arg8[%dma_wait3A_21, %dma_wait3A_22] : memref<10240x128xf32, #tpu.memory_space<vmem_shared>> -> memref<10240x128xf32, #tpu.memory_space<vmem_shared>>
        tpu.wait_indirect_dma semaphore(%run_scoped3A : memref<!tpu.dma_semaphore, #tpu.memory_space<semaphore_mem>>) src(%arg7 : memref<128x128xf32, #tpu.memory_space<vmem>>) dst(%dma_wait3A_23 : memref<10240x128xf32, #tpu.memory_space<vmem_shared>>)
        tpu.yield
      }) : () -> ()
    }
    %scan3A_7 = arith.constant 80 : i32
    %barrier3A_8 = arith.constant 0 : index
    tpu.barrier barrier_id(%barrier3A_8)
    %mul3A_9 = arith.constant 640 : i32
    %mul3A_10 = arith.muli %arg1, %mul3A_9 : i32
    %mul3A_11 = arith.constant 640 : i32
    %mul3A_12 = arith.muli %arg1, %mul3A_11 : i32
    "tpu.region"() ({
      %run_scoped3A = tpu.sem_alloc : memref<!tpu.dma_semaphore, #tpu.memory_space<semaphore_mem>>
      %dma_start3A = arith.constant 0 : i32
      %dma_start3A_13 = tpu.memref_slice %arg5[%arg0, %mul3A_12, %dma_start3A] : memref<2x10240x128xf32, #tpu.memory_space<hbm>> -> memref<1x640x128xf32, #tpu.memory_space<hbm>>
      %dma_start3A_14 = tpu.memref_squeeze %dma_start3A_13 : memref<1x640x128xf32, #tpu.memory_space<hbm>> -> memref<640x128xf32, #tpu.memory_space<hbm>>
      %dma_start3A_15 = arith.constant 0 : i32
      %dma_start3A_16 = tpu.memref_slice %arg8[%mul3A_10, %dma_start3A_15] : memref<10240x128xf32, #tpu.memory_space<vmem_shared>> -> memref<640x128xf32, #tpu.memory_space<vmem_shared>>
      tpu.enqueue_dma source(%dma_start3A_16 : memref<640x128xf32, #tpu.memory_space<vmem_shared>>) target(%dma_start3A_14 : memref<640x128xf32, #tpu.memory_space<hbm>>) target_semaphore(%run_scoped3A : memref<!tpu.dma_semaphore, #tpu.memory_space<semaphore_mem>>)
      %dma_wait3A = arith.constant 0 : i32
      %dma_wait3A_17 = tpu.memref_slice %arg5[%arg0, %mul3A_12, %dma_wait3A] : memref<2x10240x128xf32, #tpu.memory_space<hbm>> -> memref<1x640x128xf32, #tpu.memory_space<hbm>>
      %dma_wait3A_18 = tpu.memref_squeeze %dma_wait3A_17 : memref<1x640x128xf32, #tpu.memory_space<hbm>> -> memref<640x128xf32, #tpu.memory_space<hbm>>
      %dma_wait3A_19 = arith.constant 0 : i32
      %dma_wait3A_20 = tpu.memref_slice %arg8[%mul3A_10, %dma_wait3A_19] : memref<10240x128xf32, #tpu.memory_space<vmem_shared>> -> memref<640x128xf32, #tpu.memory_space<vmem_shared>>
      tpu.wait_dma2 semaphore(%run_scoped3A : memref<!tpu.dma_semaphore, #tpu.memory_space<semaphore_mem>>) src(%dma_wait3A_20 : memref<640x128xf32, #tpu.memory_space<vmem_shared>>) dst(%dma_wait3A_18 : memref<640x128xf32, #tpu.memory_space<hbm>>)
      tpu.yield
    }) : () -> ()
    return
  }
}

#map = affine_map<(d0, d1) -> (0, 0, 0)>
#map1 = affine_map<(d0, d1) -> (0, 0)>
module attributes {stable_mosaic.version = 14 : i64} {
  func.func @_agg_kernel(%arg0: i32, %arg1: i32, %arg2: memref<2x1280x128xi32, #tpu.memory_space<hbm>>, %arg3: memref<1280x128xi32, #tpu.memory_space<hbm>>, %arg4: memref<20480x128xf32, #tpu.memory_space<hbm>>, %arg5: memref<640x128xf32, #tpu.memory_space<hbm>>, %arg6: memref<2x10240x128xf32, #tpu.memory_space<hbm>>, %arg7: memref<40x128xi32, #tpu.memory_space<vmem>>, %arg8: memref<40x128xi32, #tpu.memory_space<vmem>>, %arg9: memref<128x128xf32, #tpu.memory_space<vmem>>, %arg10: memref<128x128xf32, #tpu.memory_space<vmem>>, %arg11: memref<10240x128xf32, #tpu.memory_space<vmem_shared>>, %arg12: memref<!tpu.dma_semaphore, #tpu.memory_space<semaphore_mem>>, %arg13: memref<!tpu.dma_semaphore, #tpu.memory_space<semaphore_mem>>) attributes {dimension_semantics = [#tpu.dimension_semantics<core_parallel>, #tpu.dimension_semantics<subcore_parallel>], iteration_bounds = array<i64: 2, 16>, scalar_prefetch = 0 : i64, scratch_operands = 7 : i64, tpu.core_type = #tpu.core_type<sc_vector_subcore>, window_params = [{transform_indices = #map}, {transform_indices = #map1}, {transform_indices = #map1}, {transform_indices = #map1}, {transform_indices = #map}]} {
    %mul3A = arith.constant 640 : i32
    %mul3A_0 = arith.muli %arg1, %mul3A : i32
    "tpu.region"() ({
      %run_scoped3A = tpu.sem_alloc : memref<!tpu.dma_semaphore, #tpu.memory_space<semaphore_mem>>
      %dma_start3A_37 = arith.constant 0 : i32
      %dma_start3A_38 = tpu.memref_slice %arg11[%mul3A_0, %dma_start3A_37] : memref<10240x128xf32, #tpu.memory_space<vmem_shared>> -> memref<640x128xf32, #tpu.memory_space<vmem_shared>>
      tpu.enqueue_dma source(%arg5 : memref<640x128xf32, #tpu.memory_space<hbm>>) target(%dma_start3A_38 : memref<640x128xf32, #tpu.memory_space<vmem_shared>>) target_semaphore(%run_scoped3A : memref<!tpu.dma_semaphore, #tpu.memory_space<semaphore_mem>>)
      %dma_wait3A = arith.constant 0 : i32
      %dma_wait3A_39 = tpu.memref_slice %arg11[%mul3A_0, %dma_wait3A] : memref<10240x128xf32, #tpu.memory_space<vmem_shared>> -> memref<640x128xf32, #tpu.memory_space<vmem_shared>>
      tpu.wait_dma2 semaphore(%run_scoped3A : memref<!tpu.dma_semaphore, #tpu.memory_space<semaphore_mem>>) src(%arg5 : memref<640x128xf32, #tpu.memory_space<hbm>>) dst(%dma_wait3A_39 : memref<640x128xf32, #tpu.memory_space<vmem_shared>>)
      tpu.yield
    }) : () -> ()
    %barrier3A = arith.constant 0 : index
    tpu.barrier barrier_id(%barrier3A)
    %mul3A_1 = arith.constant 80 : i32
    %mul3A_2 = arith.muli %arg1, %mul3A_1 : i32
    %add3A = arith.constant 0 : i32
    %add3A_3 = arith.addi %mul3A_2, %add3A : i32
    "tpu.region"() ({
      %run_scoped3A = tpu.sem_alloc : memref<!tpu.dma_semaphore, #tpu.memory_space<semaphore_mem>>
      %dma_start3A_37 = arith.constant 0 : i32
      %dma_start3A_38 = tpu.memref_slice %arg2[%arg0, %add3A_3, %dma_start3A_37] : memref<2x1280x128xi32, #tpu.memory_space<hbm>> -> memref<1x40x128xi32, #tpu.memory_space<hbm>>
      %dma_start3A_39 = tpu.memref_squeeze %dma_start3A_38 : memref<1x40x128xi32, #tpu.memory_space<hbm>> -> memref<40x128xi32, #tpu.memory_space<hbm>>
      %dma_start3A_40 = arith.constant 0 : i32
      %dma_start3A_41 = tpu.memref_slice %arg2[%arg0, %add3A_3, %dma_start3A_40] : memref<2x1280x128xi32, #tpu.memory_space<hbm>> -> memref<1x40x128xi32, #tpu.memory_space<hbm>>
      %dma_start3A_42 = tpu.memref_squeeze %dma_start3A_41 : memref<1x40x128xi32, #tpu.memory_space<hbm>> -> memref<40x128xi32, #tpu.memory_space<hbm>>
      tpu.enqueue_dma source(%dma_start3A_42 : memref<40x128xi32, #tpu.memory_space<hbm>>) target(%arg7 : memref<40x128xi32, #tpu.memory_space<vmem>>) target_semaphore(%run_scoped3A : memref<!tpu.dma_semaphore, #tpu.memory_space<semaphore_mem>>)
      %dma_wait3A = arith.constant 0 : i32
      %dma_wait3A_43 = tpu.memref_slice %arg2[%arg0, %add3A_3, %dma_wait3A] : memref<2x1280x128xi32, #tpu.memory_space<hbm>> -> memref<1x40x128xi32, #tpu.memory_space<hbm>>
      %dma_wait3A_44 = tpu.memref_squeeze %dma_wait3A_43 : memref<1x40x128xi32, #tpu.memory_space<hbm>> -> memref<40x128xi32, #tpu.memory_space<hbm>>
      %dma_wait3A_45 = arith.constant 0 : i32
      %dma_wait3A_46 = tpu.memref_slice %arg2[%arg0, %add3A_3, %dma_wait3A_45] : memref<2x1280x128xi32, #tpu.memory_space<hbm>> -> memref<1x40x128xi32, #tpu.memory_space<hbm>>
      %dma_wait3A_47 = tpu.memref_squeeze %dma_wait3A_46 : memref<1x40x128xi32, #tpu.memory_space<hbm>> -> memref<40x128xi32, #tpu.memory_space<hbm>>
      tpu.wait_dma2 semaphore(%run_scoped3A : memref<!tpu.dma_semaphore, #tpu.memory_space<semaphore_mem>>) src(%dma_wait3A_47 : memref<40x128xi32, #tpu.memory_space<hbm>>) dst(%arg7 : memref<40x128xi32, #tpu.memory_space<vmem>>)
      tpu.yield
    }) : () -> ()
    "tpu.region"() ({
      %run_scoped3A = tpu.sem_alloc : memref<!tpu.dma_semaphore, #tpu.memory_space<semaphore_mem>>
      %dma_start3A_37 = arith.constant 0 : i32
      %dma_start3A_38 = tpu.memref_slice %arg3[%add3A_3, %dma_start3A_37] : memref<1280x128xi32, #tpu.memory_space<hbm>> -> memref<40x128xi32, #tpu.memory_space<hbm>>
      %dma_start3A_39 = arith.constant 0 : i32
      %dma_start3A_40 = tpu.memref_slice %arg3[%add3A_3, %dma_start3A_39] : memref<1280x128xi32, #tpu.memory_space<hbm>> -> memref<40x128xi32, #tpu.memory_space<hbm>>
      tpu.enqueue_dma source(%dma_start3A_40 : memref<40x128xi32, #tpu.memory_space<hbm>>) target(%arg8 : memref<40x128xi32, #tpu.memory_space<vmem>>) target_semaphore(%run_scoped3A : memref<!tpu.dma_semaphore, #tpu.memory_space<semaphore_mem>>)
      %dma_wait3A = arith.constant 0 : i32
      %dma_wait3A_41 = tpu.memref_slice %arg3[%add3A_3, %dma_wait3A] : memref<1280x128xi32, #tpu.memory_space<hbm>> -> memref<40x128xi32, #tpu.memory_space<hbm>>
      %dma_wait3A_42 = arith.constant 0 : i32
      %dma_wait3A_43 = tpu.memref_slice %arg3[%add3A_3, %dma_wait3A_42] : memref<1280x128xi32, #tpu.memory_space<hbm>> -> memref<40x128xi32, #tpu.memory_space<hbm>>
      tpu.wait_dma2 semaphore(%run_scoped3A : memref<!tpu.dma_semaphore, #tpu.memory_space<semaphore_mem>>) src(%dma_wait3A_43 : memref<40x128xi32, #tpu.memory_space<hbm>>) dst(%arg8 : memref<40x128xi32, #tpu.memory_space<vmem>>)
      tpu.yield
    }) : () -> ()
    %dma_start3A = arith.constant 0 : i32
    %dma_start3A_4 = arith.constant 0 : i32
    %dma_start3A_5 = tpu.memref_slice %arg7[%dma_start3A, %dma_start3A_4] : memref<40x128xi32, #tpu.memory_space<vmem>> -> memref<1x128xi32, #tpu.memory_space<vmem>>
    %dma_start3A_6 = tpu.memref_squeeze %dma_start3A_5 : memref<1x128xi32, #tpu.memory_space<vmem>> -> memref<128xi32, #tpu.memory_space<vmem>>
    %dma_start3A_7 = arith.constant 0 : i32
    %dma_start3A_8 = arith.constant 0 : i32
    %dma_start3A_9 = tpu.memref_slice %arg4[%dma_start3A_7, %dma_start3A_8] : memref<20480x128xf32, #tpu.memory_space<hbm>> -> memref<20480x128xf32, #tpu.memory_space<hbm>>
    tpu.enqueue_indirect_dma source(%dma_start3A_9 : memref<20480x128xf32, #tpu.memory_space<hbm>>) target(%arg9 : memref<128x128xf32, #tpu.memory_space<vmem>>) offsets(%dma_start3A_6 : memref<128xi32, #tpu.memory_space<vmem>>) semaphore(%arg12 : memref<!tpu.dma_semaphore, #tpu.memory_space<semaphore_mem>>)
    %scan3A = arith.constant 0 : i32
    %scan3A_10 = arith.constant 0 : i32
    %scan3A_11 = arith.constant 20 : i32
    %scan3A_12 = arith.addi %scan3A_10, %scan3A_11 : i32
    %scan3A_13 = arith.constant 1 : i32
    scf.for %scan3A_37 = %scan3A_10 to %scan3A_12 step %scan3A_13  : i32 {
      %mul3A_38 = arith.constant 2 : i32
      %mul3A_39 = arith.muli %mul3A_38, %scan3A_37 : i32
      %add3A_40 = arith.constant 1 : i32
      %add3A_41 = arith.addi %mul3A_39, %add3A_40 : i32
      %dma_start3A_42 = arith.constant 0 : i32
      %dma_start3A_43 = tpu.memref_slice %arg7[%add3A_41, %dma_start3A_42] : memref<40x128xi32, #tpu.memory_space<vmem>> -> memref<1x128xi32, #tpu.memory_space<vmem>>
      %dma_start3A_44 = tpu.memref_squeeze %dma_start3A_43 : memref<1x128xi32, #tpu.memory_space<vmem>> -> memref<128xi32, #tpu.memory_space<vmem>>
      %dma_start3A_45 = arith.constant 0 : i32
      %dma_start3A_46 = arith.constant 0 : i32
      %dma_start3A_47 = tpu.memref_slice %arg4[%dma_start3A_45, %dma_start3A_46] : memref<20480x128xf32, #tpu.memory_space<hbm>> -> memref<20480x128xf32, #tpu.memory_space<hbm>>
      tpu.enqueue_indirect_dma source(%dma_start3A_47 : memref<20480x128xf32, #tpu.memory_space<hbm>>) target(%arg10 : memref<128x128xf32, #tpu.memory_space<vmem>>) offsets(%dma_start3A_44 : memref<128xi32, #tpu.memory_space<vmem>>) semaphore(%arg13 : memref<!tpu.dma_semaphore, #tpu.memory_space<semaphore_mem>>)
      %dma_wait3A = arith.constant 0 : i32
      %dma_wait3A_48 = arith.constant 0 : i32
      %dma_wait3A_49 = tpu.memref_slice %arg7[%dma_wait3A, %dma_wait3A_48] : memref<40x128xi32, #tpu.memory_space<vmem>> -> memref<1x128xi32, #tpu.memory_space<vmem>>
      %dma_wait3A_50 = tpu.memref_squeeze %dma_wait3A_49 : memref<1x128xi32, #tpu.memory_space<vmem>> -> memref<128xi32, #tpu.memory_space<vmem>>
      %dma_wait3A_51 = arith.constant 0 : i32
      %dma_wait3A_52 = arith.constant 0 : i32
      %dma_wait3A_53 = tpu.memref_slice %arg4[%dma_wait3A_51, %dma_wait3A_52] : memref<20480x128xf32, #tpu.memory_space<hbm>> -> memref<20480x128xf32, #tpu.memory_space<hbm>>
      tpu.wait_indirect_dma semaphore(%arg12 : memref<!tpu.dma_semaphore, #tpu.memory_space<semaphore_mem>>) src(%dma_wait3A_53 : memref<20480x128xf32, #tpu.memory_space<hbm>>) dst(%arg9 : memref<128x128xf32, #tpu.memory_space<vmem>>)
      "tpu.region"() ({
        %run_scoped3A = tpu.sem_alloc : memref<!tpu.dma_semaphore, #tpu.memory_space<semaphore_mem>>
        %dma_start3A_67 = arith.constant 0 : i32
        %dma_start3A_68 = tpu.memref_slice %arg8[%mul3A_39, %dma_start3A_67] : memref<40x128xi32, #tpu.memory_space<vmem>> -> memref<1x128xi32, #tpu.memory_space<vmem>>
        %dma_start3A_69 = tpu.memref_squeeze %dma_start3A_68 : memref<1x128xi32, #tpu.memory_space<vmem>> -> memref<128xi32, #tpu.memory_space<vmem>>
        %dma_start3A_70 = arith.constant 0 : i32
        %dma_start3A_71 = arith.constant 0 : i32
        %dma_start3A_72 = tpu.memref_slice %arg11[%dma_start3A_70, %dma_start3A_71] : memref<10240x128xf32, #tpu.memory_space<vmem_shared>> -> memref<10240x128xf32, #tpu.memory_space<vmem_shared>>
        tpu.enqueue_indirect_dma source(%arg9 : memref<128x128xf32, #tpu.memory_space<vmem>>) target(%dma_start3A_72 : memref<10240x128xf32, #tpu.memory_space<vmem_shared>>) offsets(%dma_start3A_69 : memref<128xi32, #tpu.memory_space<vmem>>) semaphore(%run_scoped3A : memref<!tpu.dma_semaphore, #tpu.memory_space<semaphore_mem>>) {add = true}
        %dma_wait3A_73 = arith.constant 0 : i32
        %dma_wait3A_74 = tpu.memref_slice %arg8[%mul3A_39, %dma_wait3A_73] : memref<40x128xi32, #tpu.memory_space<vmem>> -> memref<1x128xi32, #tpu.memory_space<vmem>>
        %dma_wait3A_75 = tpu.memref_squeeze %dma_wait3A_74 : memref<1x128xi32, #tpu.memory_space<vmem>> -> memref<128xi32, #tpu.memory_space<vmem>>
        %dma_wait3A_76 = arith.constant 0 : i32
        %dma_wait3A_77 = arith.constant 0 : i32
        %dma_wait3A_78 = tpu.memref_slice %arg11[%dma_wait3A_76, %dma_wait3A_77] : memref<10240x128xf32, #tpu.memory_space<vmem_shared>> -> memref<10240x128xf32, #tpu.memory_space<vmem_shared>>
        tpu.wait_indirect_dma semaphore(%run_scoped3A : memref<!tpu.dma_semaphore, #tpu.memory_space<semaphore_mem>>) src(%arg9 : memref<128x128xf32, #tpu.memory_space<vmem>>) dst(%dma_wait3A_78 : memref<10240x128xf32, #tpu.memory_space<vmem_shared>>)
        tpu.yield
      }) : () -> ()
      %add3A_54 = arith.constant 1 : i32
      %add3A_55 = arith.addi %scan3A_37, %add3A_54 : i32
      %lt3A = arith.constant 20 : i32
      %lt3A_56 = arith.cmpi slt, %add3A_55, %lt3A : i32
      %convert_element_type3A = arith.extui %lt3A_56 : i1 to i32
      %cond3A = arith.constant 0 : i32
      %cond3A_57 = arith.cmpi ne, %convert_element_type3A, %cond3A : i32
      scf.if %cond3A_57 {
        %add3A_67 = arith.constant 2 : i32
        %add3A_68 = arith.addi %mul3A_39, %add3A_67 : i32
        %dma_start3A_69 = arith.constant 0 : i32
        %dma_start3A_70 = tpu.memref_slice %arg7[%add3A_68, %dma_start3A_69] : memref<40x128xi32, #tpu.memory_space<vmem>> -> memref<1x128xi32, #tpu.memory_space<vmem>>
        %dma_start3A_71 = tpu.memref_squeeze %dma_start3A_70 : memref<1x128xi32, #tpu.memory_space<vmem>> -> memref<128xi32, #tpu.memory_space<vmem>>
        %dma_start3A_72 = arith.constant 0 : i32
        %dma_start3A_73 = arith.constant 0 : i32
        %dma_start3A_74 = tpu.memref_slice %arg4[%dma_start3A_72, %dma_start3A_73] : memref<20480x128xf32, #tpu.memory_space<hbm>> -> memref<20480x128xf32, #tpu.memory_space<hbm>>
        tpu.enqueue_indirect_dma source(%dma_start3A_74 : memref<20480x128xf32, #tpu.memory_space<hbm>>) target(%arg9 : memref<128x128xf32, #tpu.memory_space<vmem>>) offsets(%dma_start3A_71 : memref<128xi32, #tpu.memory_space<vmem>>) semaphore(%arg12 : memref<!tpu.dma_semaphore, #tpu.memory_space<semaphore_mem>>)
      } else {
      }
      %dma_wait3A_58 = arith.constant 0 : i32
      %dma_wait3A_59 = arith.constant 0 : i32
      %dma_wait3A_60 = tpu.memref_slice %arg7[%dma_wait3A_58, %dma_wait3A_59] : memref<40x128xi32, #tpu.memory_space<vmem>> -> memref<1x128xi32, #tpu.memory_space<vmem>>
      %dma_wait3A_61 = tpu.memref_squeeze %dma_wait3A_60 : memref<1x128xi32, #tpu.memory_space<vmem>> -> memref<128xi32, #tpu.memory_space<vmem>>
      %dma_wait3A_62 = arith.constant 0 : i32
      %dma_wait3A_63 = arith.constant 0 : i32
      %dma_wait3A_64 = tpu.memref_slice %arg4[%dma_wait3A_62, %dma_wait3A_63] : memref<20480x128xf32, #tpu.memory_space<hbm>> -> memref<20480x128xf32, #tpu.memory_space<hbm>>
      tpu.wait_indirect_dma semaphore(%arg13 : memref<!tpu.dma_semaphore, #tpu.memory_space<semaphore_mem>>) src(%dma_wait3A_64 : memref<20480x128xf32, #tpu.memory_space<hbm>>) dst(%arg10 : memref<128x128xf32, #tpu.memory_space<vmem>>)
      %add3A_65 = arith.constant 1 : i32
      %add3A_66 = arith.addi %mul3A_39, %add3A_65 : i32
      "tpu.region"() ({
        %run_scoped3A = tpu.sem_alloc : memref<!tpu.dma_semaphore, #tpu.memory_space<semaphore_mem>>
        %dma_start3A_67 = arith.constant 0 : i32
        %dma_start3A_68 = tpu.memref_slice %arg8[%add3A_66, %dma_start3A_67] : memref<40x128xi32, #tpu.memory_space<vmem>> -> memref<1x128xi32, #tpu.memory_space<vmem>>
        %dma_start3A_69 = tpu.memref_squeeze %dma_start3A_68 : memref<1x128xi32, #tpu.memory_space<vmem>> -> memref<128xi32, #tpu.memory_space<vmem>>
        %dma_start3A_70 = arith.constant 0 : i32
        %dma_start3A_71 = arith.constant 0 : i32
        %dma_start3A_72 = tpu.memref_slice %arg11[%dma_start3A_70, %dma_start3A_71] : memref<10240x128xf32, #tpu.memory_space<vmem_shared>> -> memref<10240x128xf32, #tpu.memory_space<vmem_shared>>
        tpu.enqueue_indirect_dma source(%arg10 : memref<128x128xf32, #tpu.memory_space<vmem>>) target(%dma_start3A_72 : memref<10240x128xf32, #tpu.memory_space<vmem_shared>>) offsets(%dma_start3A_69 : memref<128xi32, #tpu.memory_space<vmem>>) semaphore(%run_scoped3A : memref<!tpu.dma_semaphore, #tpu.memory_space<semaphore_mem>>) {add = true}
        %dma_wait3A_73 = arith.constant 0 : i32
        %dma_wait3A_74 = tpu.memref_slice %arg8[%add3A_66, %dma_wait3A_73] : memref<40x128xi32, #tpu.memory_space<vmem>> -> memref<1x128xi32, #tpu.memory_space<vmem>>
        %dma_wait3A_75 = tpu.memref_squeeze %dma_wait3A_74 : memref<1x128xi32, #tpu.memory_space<vmem>> -> memref<128xi32, #tpu.memory_space<vmem>>
        %dma_wait3A_76 = arith.constant 0 : i32
        %dma_wait3A_77 = arith.constant 0 : i32
        %dma_wait3A_78 = tpu.memref_slice %arg11[%dma_wait3A_76, %dma_wait3A_77] : memref<10240x128xf32, #tpu.memory_space<vmem_shared>> -> memref<10240x128xf32, #tpu.memory_space<vmem_shared>>
        tpu.wait_indirect_dma semaphore(%run_scoped3A : memref<!tpu.dma_semaphore, #tpu.memory_space<semaphore_mem>>) src(%arg10 : memref<128x128xf32, #tpu.memory_space<vmem>>) dst(%dma_wait3A_78 : memref<10240x128xf32, #tpu.memory_space<vmem_shared>>)
        tpu.yield
      }) : () -> ()
    }
    %scan3A_14 = arith.constant 20 : i32
    %mul3A_15 = arith.constant 80 : i32
    %mul3A_16 = arith.muli %arg1, %mul3A_15 : i32
    %add3A_17 = arith.constant 40 : i32
    %add3A_18 = arith.addi %mul3A_16, %add3A_17 : i32
    "tpu.region"() ({
      %run_scoped3A = tpu.sem_alloc : memref<!tpu.dma_semaphore, #tpu.memory_space<semaphore_mem>>
      %dma_start3A_37 = arith.constant 0 : i32
      %dma_start3A_38 = tpu.memref_slice %arg2[%arg0, %add3A_18, %dma_start3A_37] : memref<2x1280x128xi32, #tpu.memory_space<hbm>> -> memref<1x40x128xi32, #tpu.memory_space<hbm>>
      %dma_start3A_39 = tpu.memref_squeeze %dma_start3A_38 : memref<1x40x128xi32, #tpu.memory_space<hbm>> -> memref<40x128xi32, #tpu.memory_space<hbm>>
      %dma_start3A_40 = arith.constant 0 : i32
      %dma_start3A_41 = tpu.memref_slice %arg2[%arg0, %add3A_18, %dma_start3A_40] : memref<2x1280x128xi32, #tpu.memory_space<hbm>> -> memref<1x40x128xi32, #tpu.memory_space<hbm>>
      %dma_start3A_42 = tpu.memref_squeeze %dma_start3A_41 : memref<1x40x128xi32, #tpu.memory_space<hbm>> -> memref<40x128xi32, #tpu.memory_space<hbm>>
      tpu.enqueue_dma source(%dma_start3A_42 : memref<40x128xi32, #tpu.memory_space<hbm>>) target(%arg7 : memref<40x128xi32, #tpu.memory_space<vmem>>) target_semaphore(%run_scoped3A : memref<!tpu.dma_semaphore, #tpu.memory_space<semaphore_mem>>)
      %dma_wait3A = arith.constant 0 : i32
      %dma_wait3A_43 = tpu.memref_slice %arg2[%arg0, %add3A_18, %dma_wait3A] : memref<2x1280x128xi32, #tpu.memory_space<hbm>> -> memref<1x40x128xi32, #tpu.memory_space<hbm>>
      %dma_wait3A_44 = tpu.memref_squeeze %dma_wait3A_43 : memref<1x40x128xi32, #tpu.memory_space<hbm>> -> memref<40x128xi32, #tpu.memory_space<hbm>>
      %dma_wait3A_45 = arith.constant 0 : i32
      %dma_wait3A_46 = tpu.memref_slice %arg2[%arg0, %add3A_18, %dma_wait3A_45] : memref<2x1280x128xi32, #tpu.memory_space<hbm>> -> memref<1x40x128xi32, #tpu.memory_space<hbm>>
      %dma_wait3A_47 = tpu.memref_squeeze %dma_wait3A_46 : memref<1x40x128xi32, #tpu.memory_space<hbm>> -> memref<40x128xi32, #tpu.memory_space<hbm>>
      tpu.wait_dma2 semaphore(%run_scoped3A : memref<!tpu.dma_semaphore, #tpu.memory_space<semaphore_mem>>) src(%dma_wait3A_47 : memref<40x128xi32, #tpu.memory_space<hbm>>) dst(%arg7 : memref<40x128xi32, #tpu.memory_space<vmem>>)
      tpu.yield
    }) : () -> ()
    "tpu.region"() ({
      %run_scoped3A = tpu.sem_alloc : memref<!tpu.dma_semaphore, #tpu.memory_space<semaphore_mem>>
      %dma_start3A_37 = arith.constant 0 : i32
      %dma_start3A_38 = tpu.memref_slice %arg3[%add3A_18, %dma_start3A_37] : memref<1280x128xi32, #tpu.memory_space<hbm>> -> memref<40x128xi32, #tpu.memory_space<hbm>>
      %dma_start3A_39 = arith.constant 0 : i32
      %dma_start3A_40 = tpu.memref_slice %arg3[%add3A_18, %dma_start3A_39] : memref<1280x128xi32, #tpu.memory_space<hbm>> -> memref<40x128xi32, #tpu.memory_space<hbm>>
      tpu.enqueue_dma source(%dma_start3A_40 : memref<40x128xi32, #tpu.memory_space<hbm>>) target(%arg8 : memref<40x128xi32, #tpu.memory_space<vmem>>) target_semaphore(%run_scoped3A : memref<!tpu.dma_semaphore, #tpu.memory_space<semaphore_mem>>)
      %dma_wait3A = arith.constant 0 : i32
      %dma_wait3A_41 = tpu.memref_slice %arg3[%add3A_18, %dma_wait3A] : memref<1280x128xi32, #tpu.memory_space<hbm>> -> memref<40x128xi32, #tpu.memory_space<hbm>>
      %dma_wait3A_42 = arith.constant 0 : i32
      %dma_wait3A_43 = tpu.memref_slice %arg3[%add3A_18, %dma_wait3A_42] : memref<1280x128xi32, #tpu.memory_space<hbm>> -> memref<40x128xi32, #tpu.memory_space<hbm>>
      tpu.wait_dma2 semaphore(%run_scoped3A : memref<!tpu.dma_semaphore, #tpu.memory_space<semaphore_mem>>) src(%dma_wait3A_43 : memref<40x128xi32, #tpu.memory_space<hbm>>) dst(%arg8 : memref<40x128xi32, #tpu.memory_space<vmem>>)
      tpu.yield
    }) : () -> ()
    %dma_start3A_19 = arith.constant 0 : i32
    %dma_start3A_20 = arith.constant 0 : i32
    %dma_start3A_21 = tpu.memref_slice %arg7[%dma_start3A_19, %dma_start3A_20] : memref<40x128xi32, #tpu.memory_space<vmem>> -> memref<1x128xi32, #tpu.memory_space<vmem>>
    %dma_start3A_22 = tpu.memref_squeeze %dma_start3A_21 : memref<1x128xi32, #tpu.memory_space<vmem>> -> memref<128xi32, #tpu.memory_space<vmem>>
    %dma_start3A_23 = arith.constant 0 : i32
    %dma_start3A_24 = arith.constant 0 : i32
    %dma_start3A_25 = tpu.memref_slice %arg4[%dma_start3A_23, %dma_start3A_24] : memref<20480x128xf32, #tpu.memory_space<hbm>> -> memref<20480x128xf32, #tpu.memory_space<hbm>>
    tpu.enqueue_indirect_dma source(%dma_start3A_25 : memref<20480x128xf32, #tpu.memory_space<hbm>>) target(%arg9 : memref<128x128xf32, #tpu.memory_space<vmem>>) offsets(%dma_start3A_22 : memref<128xi32, #tpu.memory_space<vmem>>) semaphore(%arg12 : memref<!tpu.dma_semaphore, #tpu.memory_space<semaphore_mem>>)
    %scan3A_26 = arith.constant 0 : i32
    %scan3A_27 = arith.constant 0 : i32
    %scan3A_28 = arith.constant 20 : i32
    %scan3A_29 = arith.addi %scan3A_27, %scan3A_28 : i32
    %scan3A_30 = arith.constant 1 : i32
    scf.for %scan3A_37 = %scan3A_27 to %scan3A_29 step %scan3A_30  : i32 {
      %mul3A_38 = arith.constant 2 : i32
      %mul3A_39 = arith.muli %mul3A_38, %scan3A_37 : i32
      %add3A_40 = arith.constant 1 : i32
      %add3A_41 = arith.addi %mul3A_39, %add3A_40 : i32
      %dma_start3A_42 = arith.constant 0 : i32
      %dma_start3A_43 = tpu.memref_slice %arg7[%add3A_41, %dma_start3A_42] : memref<40x128xi32, #tpu.memory_space<vmem>> -> memref<1x128xi32, #tpu.memory_space<vmem>>
      %dma_start3A_44 = tpu.memref_squeeze %dma_start3A_43 : memref<1x128xi32, #tpu.memory_space<vmem>> -> memref<128xi32, #tpu.memory_space<vmem>>
      %dma_start3A_45 = arith.constant 0 : i32
      %dma_start3A_46 = arith.constant 0 : i32
      %dma_start3A_47 = tpu.memref_slice %arg4[%dma_start3A_45, %dma_start3A_46] : memref<20480x128xf32, #tpu.memory_space<hbm>> -> memref<20480x128xf32, #tpu.memory_space<hbm>>
      tpu.enqueue_indirect_dma source(%dma_start3A_47 : memref<20480x128xf32, #tpu.memory_space<hbm>>) target(%arg10 : memref<128x128xf32, #tpu.memory_space<vmem>>) offsets(%dma_start3A_44 : memref<128xi32, #tpu.memory_space<vmem>>) semaphore(%arg13 : memref<!tpu.dma_semaphore, #tpu.memory_space<semaphore_mem>>)
      %dma_wait3A = arith.constant 0 : i32
      %dma_wait3A_48 = arith.constant 0 : i32
      %dma_wait3A_49 = tpu.memref_slice %arg7[%dma_wait3A, %dma_wait3A_48] : memref<40x128xi32, #tpu.memory_space<vmem>> -> memref<1x128xi32, #tpu.memory_space<vmem>>
      %dma_wait3A_50 = tpu.memref_squeeze %dma_wait3A_49 : memref<1x128xi32, #tpu.memory_space<vmem>> -> memref<128xi32, #tpu.memory_space<vmem>>
      %dma_wait3A_51 = arith.constant 0 : i32
      %dma_wait3A_52 = arith.constant 0 : i32
      %dma_wait3A_53 = tpu.memref_slice %arg4[%dma_wait3A_51, %dma_wait3A_52] : memref<20480x128xf32, #tpu.memory_space<hbm>> -> memref<20480x128xf32, #tpu.memory_space<hbm>>
      tpu.wait_indirect_dma semaphore(%arg12 : memref<!tpu.dma_semaphore, #tpu.memory_space<semaphore_mem>>) src(%dma_wait3A_53 : memref<20480x128xf32, #tpu.memory_space<hbm>>) dst(%arg9 : memref<128x128xf32, #tpu.memory_space<vmem>>)
      "tpu.region"() ({
        %run_scoped3A = tpu.sem_alloc : memref<!tpu.dma_semaphore, #tpu.memory_space<semaphore_mem>>
        %dma_start3A_67 = arith.constant 0 : i32
        %dma_start3A_68 = tpu.memref_slice %arg8[%mul3A_39, %dma_start3A_67] : memref<40x128xi32, #tpu.memory_space<vmem>> -> memref<1x128xi32, #tpu.memory_space<vmem>>
        %dma_start3A_69 = tpu.memref_squeeze %dma_start3A_68 : memref<1x128xi32, #tpu.memory_space<vmem>> -> memref<128xi32, #tpu.memory_space<vmem>>
        %dma_start3A_70 = arith.constant 0 : i32
        %dma_start3A_71 = arith.constant 0 : i32
        %dma_start3A_72 = tpu.memref_slice %arg11[%dma_start3A_70, %dma_start3A_71] : memref<10240x128xf32, #tpu.memory_space<vmem_shared>> -> memref<10240x128xf32, #tpu.memory_space<vmem_shared>>
        tpu.enqueue_indirect_dma source(%arg9 : memref<128x128xf32, #tpu.memory_space<vmem>>) target(%dma_start3A_72 : memref<10240x128xf32, #tpu.memory_space<vmem_shared>>) offsets(%dma_start3A_69 : memref<128xi32, #tpu.memory_space<vmem>>) semaphore(%run_scoped3A : memref<!tpu.dma_semaphore, #tpu.memory_space<semaphore_mem>>) {add = true}
        %dma_wait3A_73 = arith.constant 0 : i32
        %dma_wait3A_74 = tpu.memref_slice %arg8[%mul3A_39, %dma_wait3A_73] : memref<40x128xi32, #tpu.memory_space<vmem>> -> memref<1x128xi32, #tpu.memory_space<vmem>>
        %dma_wait3A_75 = tpu.memref_squeeze %dma_wait3A_74 : memref<1x128xi32, #tpu.memory_space<vmem>> -> memref<128xi32, #tpu.memory_space<vmem>>
        %dma_wait3A_76 = arith.constant 0 : i32
        %dma_wait3A_77 = arith.constant 0 : i32
        %dma_wait3A_78 = tpu.memref_slice %arg11[%dma_wait3A_76, %dma_wait3A_77] : memref<10240x128xf32, #tpu.memory_space<vmem_shared>> -> memref<10240x128xf32, #tpu.memory_space<vmem_shared>>
        tpu.wait_indirect_dma semaphore(%run_scoped3A : memref<!tpu.dma_semaphore, #tpu.memory_space<semaphore_mem>>) src(%arg9 : memref<128x128xf32, #tpu.memory_space<vmem>>) dst(%dma_wait3A_78 : memref<10240x128xf32, #tpu.memory_space<vmem_shared>>)
        tpu.yield
      }) : () -> ()
      %add3A_54 = arith.constant 1 : i32
      %add3A_55 = arith.addi %scan3A_37, %add3A_54 : i32
      %lt3A = arith.constant 20 : i32
      %lt3A_56 = arith.cmpi slt, %add3A_55, %lt3A : i32
      %convert_element_type3A = arith.extui %lt3A_56 : i1 to i32
      %cond3A = arith.constant 0 : i32
      %cond3A_57 = arith.cmpi ne, %convert_element_type3A, %cond3A : i32
      scf.if %cond3A_57 {
        %add3A_67 = arith.constant 2 : i32
        %add3A_68 = arith.addi %mul3A_39, %add3A_67 : i32
        %dma_start3A_69 = arith.constant 0 : i32
        %dma_start3A_70 = tpu.memref_slice %arg7[%add3A_68, %dma_start3A_69] : memref<40x128xi32, #tpu.memory_space<vmem>> -> memref<1x128xi32, #tpu.memory_space<vmem>>
        %dma_start3A_71 = tpu.memref_squeeze %dma_start3A_70 : memref<1x128xi32, #tpu.memory_space<vmem>> -> memref<128xi32, #tpu.memory_space<vmem>>
        %dma_start3A_72 = arith.constant 0 : i32
        %dma_start3A_73 = arith.constant 0 : i32
        %dma_start3A_74 = tpu.memref_slice %arg4[%dma_start3A_72, %dma_start3A_73] : memref<20480x128xf32, #tpu.memory_space<hbm>> -> memref<20480x128xf32, #tpu.memory_space<hbm>>
        tpu.enqueue_indirect_dma source(%dma_start3A_74 : memref<20480x128xf32, #tpu.memory_space<hbm>>) target(%arg9 : memref<128x128xf32, #tpu.memory_space<vmem>>) offsets(%dma_start3A_71 : memref<128xi32, #tpu.memory_space<vmem>>) semaphore(%arg12 : memref<!tpu.dma_semaphore, #tpu.memory_space<semaphore_mem>>)
      } else {
      }
      %dma_wait3A_58 = arith.constant 0 : i32
      %dma_wait3A_59 = arith.constant 0 : i32
      %dma_wait3A_60 = tpu.memref_slice %arg7[%dma_wait3A_58, %dma_wait3A_59] : memref<40x128xi32, #tpu.memory_space<vmem>> -> memref<1x128xi32, #tpu.memory_space<vmem>>
      %dma_wait3A_61 = tpu.memref_squeeze %dma_wait3A_60 : memref<1x128xi32, #tpu.memory_space<vmem>> -> memref<128xi32, #tpu.memory_space<vmem>>
      %dma_wait3A_62 = arith.constant 0 : i32
      %dma_wait3A_63 = arith.constant 0 : i32
      %dma_wait3A_64 = tpu.memref_slice %arg4[%dma_wait3A_62, %dma_wait3A_63] : memref<20480x128xf32, #tpu.memory_space<hbm>> -> memref<20480x128xf32, #tpu.memory_space<hbm>>
      tpu.wait_indirect_dma semaphore(%arg13 : memref<!tpu.dma_semaphore, #tpu.memory_space<semaphore_mem>>) src(%dma_wait3A_64 : memref<20480x128xf32, #tpu.memory_space<hbm>>) dst(%arg10 : memref<128x128xf32, #tpu.memory_space<vmem>>)
      %add3A_65 = arith.constant 1 : i32
      %add3A_66 = arith.addi %mul3A_39, %add3A_65 : i32
      "tpu.region"() ({
        %run_scoped3A = tpu.sem_alloc : memref<!tpu.dma_semaphore, #tpu.memory_space<semaphore_mem>>
        %dma_start3A_67 = arith.constant 0 : i32
        %dma_start3A_68 = tpu.memref_slice %arg8[%add3A_66, %dma_start3A_67] : memref<40x128xi32, #tpu.memory_space<vmem>> -> memref<1x128xi32, #tpu.memory_space<vmem>>
        %dma_start3A_69 = tpu.memref_squeeze %dma_start3A_68 : memref<1x128xi32, #tpu.memory_space<vmem>> -> memref<128xi32, #tpu.memory_space<vmem>>
        %dma_start3A_70 = arith.constant 0 : i32
        %dma_start3A_71 = arith.constant 0 : i32
        %dma_start3A_72 = tpu.memref_slice %arg11[%dma_start3A_70, %dma_start3A_71] : memref<10240x128xf32, #tpu.memory_space<vmem_shared>> -> memref<10240x128xf32, #tpu.memory_space<vmem_shared>>
        tpu.enqueue_indirect_dma source(%arg10 : memref<128x128xf32, #tpu.memory_space<vmem>>) target(%dma_start3A_72 : memref<10240x128xf32, #tpu.memory_space<vmem_shared>>) offsets(%dma_start3A_69 : memref<128xi32, #tpu.memory_space<vmem>>) semaphore(%run_scoped3A : memref<!tpu.dma_semaphore, #tpu.memory_space<semaphore_mem>>) {add = true}
        %dma_wait3A_73 = arith.constant 0 : i32
        %dma_wait3A_74 = tpu.memref_slice %arg8[%add3A_66, %dma_wait3A_73] : memref<40x128xi32, #tpu.memory_space<vmem>> -> memref<1x128xi32, #tpu.memory_space<vmem>>
        %dma_wait3A_75 = tpu.memref_squeeze %dma_wait3A_74 : memref<1x128xi32, #tpu.memory_space<vmem>> -> memref<128xi32, #tpu.memory_space<vmem>>
        %dma_wait3A_76 = arith.constant 0 : i32
        %dma_wait3A_77 = arith.constant 0 : i32
        %dma_wait3A_78 = tpu.memref_slice %arg11[%dma_wait3A_76, %dma_wait3A_77] : memref<10240x128xf32, #tpu.memory_space<vmem_shared>> -> memref<10240x128xf32, #tpu.memory_space<vmem_shared>>
        tpu.wait_indirect_dma semaphore(%run_scoped3A : memref<!tpu.dma_semaphore, #tpu.memory_space<semaphore_mem>>) src(%arg10 : memref<128x128xf32, #tpu.memory_space<vmem>>) dst(%dma_wait3A_78 : memref<10240x128xf32, #tpu.memory_space<vmem_shared>>)
        tpu.yield
      }) : () -> ()
    }
    %scan3A_31 = arith.constant 20 : i32
    %barrier3A_32 = arith.constant 0 : index
    tpu.barrier barrier_id(%barrier3A_32)
    %mul3A_33 = arith.constant 640 : i32
    %mul3A_34 = arith.muli %arg1, %mul3A_33 : i32
    %mul3A_35 = arith.constant 640 : i32
    %mul3A_36 = arith.muli %arg1, %mul3A_35 : i32
    "tpu.region"() ({
      %run_scoped3A = tpu.sem_alloc : memref<!tpu.dma_semaphore, #tpu.memory_space<semaphore_mem>>
      %dma_start3A_37 = arith.constant 0 : i32
      %dma_start3A_38 = tpu.memref_slice %arg6[%arg0, %mul3A_36, %dma_start3A_37] : memref<2x10240x128xf32, #tpu.memory_space<hbm>> -> memref<1x640x128xf32, #tpu.memory_space<hbm>>
      %dma_start3A_39 = tpu.memref_squeeze %dma_start3A_38 : memref<1x640x128xf32, #tpu.memory_space<hbm>> -> memref<640x128xf32, #tpu.memory_space<hbm>>
      %dma_start3A_40 = arith.constant 0 : i32
      %dma_start3A_41 = tpu.memref_slice %arg11[%mul3A_34, %dma_start3A_40] : memref<10240x128xf32, #tpu.memory_space<vmem_shared>> -> memref<640x128xf32, #tpu.memory_space<vmem_shared>>
      tpu.enqueue_dma source(%dma_start3A_41 : memref<640x128xf32, #tpu.memory_space<vmem_shared>>) target(%dma_start3A_39 : memref<640x128xf32, #tpu.memory_space<hbm>>) target_semaphore(%run_scoped3A : memref<!tpu.dma_semaphore, #tpu.memory_space<semaphore_mem>>)
      %dma_wait3A = arith.constant 0 : i32
      %dma_wait3A_42 = tpu.memref_slice %arg6[%arg0, %mul3A_36, %dma_wait3A] : memref<2x10240x128xf32, #tpu.memory_space<hbm>> -> memref<1x640x128xf32, #tpu.memory_space<hbm>>
      %dma_wait3A_43 = tpu.memref_squeeze %dma_wait3A_42 : memref<1x640x128xf32, #tpu.memory_space<hbm>> -> memref<640x128xf32, #tpu.memory_space<hbm>>
      %dma_wait3A_44 = arith.constant 0 : i32
      %dma_wait3A_45 = tpu.memref_slice %arg11[%mul3A_34, %dma_wait3A_44] : memref<10240x128xf32, #tpu.memory_space<vmem_shared>> -> memref<640x128xf32, #tpu.memory_space<vmem_shared>>
      tpu.wait_dma2 semaphore(%run_scoped3A : memref<!tpu.dma_semaphore, #tpu.memory_space<semaphore_mem>>) src(%dma_wait3A_45 : memref<640x128xf32, #tpu.memory_space<vmem_shared>>) dst(%dma_wait3A_43 : memref<640x128xf32, #tpu.memory_space<hbm>>)
      tpu.yield
    }) : () -> ()
    return
  }
}

#map = affine_map<(d0, d1) -> (0, 0, 0)>
#map1 = affine_map<(d0, d1) -> (0, 0)>
module attributes {stable_mosaic.version = 14 : i64} {
  func.func @_agg_kernel(%arg0: i32, %arg1: i32, %arg2: memref<2x1280x128xi32, #tpu.memory_space<hbm>>, %arg3: memref<1280x128xi32, #tpu.memory_space<hbm>>, %arg4: memref<20480x128xf32, #tpu.memory_space<hbm>>, %arg5: memref<640x128xf32, #tpu.memory_space<hbm>>, %arg6: memref<2x10240x128xf32, #tpu.memory_space<hbm>>, %arg7: memref<40x128xi32, #tpu.memory_space<vmem>>, %arg8: memref<40x128xi32, #tpu.memory_space<vmem>>, %arg9: memref<128x128xf32, #tpu.memory_space<vmem>>, %arg10: memref<128x128xf32, #tpu.memory_space<vmem>>, %arg11: memref<10240x128xf32, #tpu.memory_space<vmem_shared>>, %arg12: memref<!tpu.dma_semaphore, #tpu.memory_space<semaphore_mem>>, %arg13: memref<!tpu.dma_semaphore, #tpu.memory_space<semaphore_mem>>) attributes {dimension_semantics = [#tpu.dimension_semantics<core_parallel>, #tpu.dimension_semantics<subcore_parallel>], iteration_bounds = array<i64: 2, 16>, scalar_prefetch = 0 : i64, scratch_operands = 7 : i64, tpu.core_type = #tpu.core_type<sc_vector_subcore>, window_params = [{transform_indices = #map}, {transform_indices = #map1}, {transform_indices = #map1}, {transform_indices = #map1}, {transform_indices = #map}]} {
    %mul3A = arith.constant 640 : i32
    %mul3A_0 = arith.muli %arg1, %mul3A : i32
    "tpu.region"() ({
      %run_scoped3A = tpu.sem_alloc : memref<!tpu.dma_semaphore, #tpu.memory_space<semaphore_mem>>
      %dma_start3A_37 = arith.constant 0 : i32
      %dma_start3A_38 = tpu.memref_slice %arg11[%mul3A_0, %dma_start3A_37] : memref<10240x128xf32, #tpu.memory_space<vmem_shared>> -> memref<640x128xf32, #tpu.memory_space<vmem_shared>>
      tpu.enqueue_dma source(%arg5 : memref<640x128xf32, #tpu.memory_space<hbm>>) target(%dma_start3A_38 : memref<640x128xf32, #tpu.memory_space<vmem_shared>>) target_semaphore(%run_scoped3A : memref<!tpu.dma_semaphore, #tpu.memory_space<semaphore_mem>>)
      %dma_wait3A = arith.constant 0 : i32
      %dma_wait3A_39 = tpu.memref_slice %arg11[%mul3A_0, %dma_wait3A] : memref<10240x128xf32, #tpu.memory_space<vmem_shared>> -> memref<640x128xf32, #tpu.memory_space<vmem_shared>>
      tpu.wait_dma2 semaphore(%run_scoped3A : memref<!tpu.dma_semaphore, #tpu.memory_space<semaphore_mem>>) src(%arg5 : memref<640x128xf32, #tpu.memory_space<hbm>>) dst(%dma_wait3A_39 : memref<640x128xf32, #tpu.memory_space<vmem_shared>>)
      tpu.yield
    }) : () -> ()
    %barrier3A = arith.constant 0 : index
    tpu.barrier barrier_id(%barrier3A)
    %mul3A_1 = arith.constant 80 : i32
    %mul3A_2 = arith.muli %arg1, %mul3A_1 : i32
    %add3A = arith.constant 0 : i32
    %add3A_3 = arith.addi %mul3A_2, %add3A : i32
    "tpu.region"() ({
      %run_scoped3A = tpu.sem_alloc : memref<!tpu.dma_semaphore, #tpu.memory_space<semaphore_mem>>
      %dma_start3A_37 = arith.constant 0 : i32
      %dma_start3A_38 = tpu.memref_slice %arg2[%arg0, %add3A_3, %dma_start3A_37] : memref<2x1280x128xi32, #tpu.memory_space<hbm>> -> memref<1x40x128xi32, #tpu.memory_space<hbm>>
      %dma_start3A_39 = tpu.memref_squeeze %dma_start3A_38 : memref<1x40x128xi32, #tpu.memory_space<hbm>> -> memref<40x128xi32, #tpu.memory_space<hbm>>
      %dma_start3A_40 = arith.constant 0 : i32
      %dma_start3A_41 = tpu.memref_slice %arg2[%arg0, %add3A_3, %dma_start3A_40] : memref<2x1280x128xi32, #tpu.memory_space<hbm>> -> memref<1x40x128xi32, #tpu.memory_space<hbm>>
      %dma_start3A_42 = tpu.memref_squeeze %dma_start3A_41 : memref<1x40x128xi32, #tpu.memory_space<hbm>> -> memref<40x128xi32, #tpu.memory_space<hbm>>
      tpu.enqueue_dma source(%dma_start3A_42 : memref<40x128xi32, #tpu.memory_space<hbm>>) target(%arg7 : memref<40x128xi32, #tpu.memory_space<vmem>>) target_semaphore(%run_scoped3A : memref<!tpu.dma_semaphore, #tpu.memory_space<semaphore_mem>>)
      %dma_wait3A = arith.constant 0 : i32
      %dma_wait3A_43 = tpu.memref_slice %arg2[%arg0, %add3A_3, %dma_wait3A] : memref<2x1280x128xi32, #tpu.memory_space<hbm>> -> memref<1x40x128xi32, #tpu.memory_space<hbm>>
      %dma_wait3A_44 = tpu.memref_squeeze %dma_wait3A_43 : memref<1x40x128xi32, #tpu.memory_space<hbm>> -> memref<40x128xi32, #tpu.memory_space<hbm>>
      %dma_wait3A_45 = arith.constant 0 : i32
      %dma_wait3A_46 = tpu.memref_slice %arg2[%arg0, %add3A_3, %dma_wait3A_45] : memref<2x1280x128xi32, #tpu.memory_space<hbm>> -> memref<1x40x128xi32, #tpu.memory_space<hbm>>
      %dma_wait3A_47 = tpu.memref_squeeze %dma_wait3A_46 : memref<1x40x128xi32, #tpu.memory_space<hbm>> -> memref<40x128xi32, #tpu.memory_space<hbm>>
      tpu.wait_dma2 semaphore(%run_scoped3A : memref<!tpu.dma_semaphore, #tpu.memory_space<semaphore_mem>>) src(%dma_wait3A_47 : memref<40x128xi32, #tpu.memory_space<hbm>>) dst(%arg7 : memref<40x128xi32, #tpu.memory_space<vmem>>)
      tpu.yield
    }) : () -> ()
    "tpu.region"() ({
      %run_scoped3A = tpu.sem_alloc : memref<!tpu.dma_semaphore, #tpu.memory_space<semaphore_mem>>
      %dma_start3A_37 = arith.constant 0 : i32
      %dma_start3A_38 = tpu.memref_slice %arg3[%add3A_3, %dma_start3A_37] : memref<1280x128xi32, #tpu.memory_space<hbm>> -> memref<40x128xi32, #tpu.memory_space<hbm>>
      %dma_start3A_39 = arith.constant 0 : i32
      %dma_start3A_40 = tpu.memref_slice %arg3[%add3A_3, %dma_start3A_39] : memref<1280x128xi32, #tpu.memory_space<hbm>> -> memref<40x128xi32, #tpu.memory_space<hbm>>
      tpu.enqueue_dma source(%dma_start3A_40 : memref<40x128xi32, #tpu.memory_space<hbm>>) target(%arg8 : memref<40x128xi32, #tpu.memory_space<vmem>>) target_semaphore(%run_scoped3A : memref<!tpu.dma_semaphore, #tpu.memory_space<semaphore_mem>>)
      %dma_wait3A = arith.constant 0 : i32
      %dma_wait3A_41 = tpu.memref_slice %arg3[%add3A_3, %dma_wait3A] : memref<1280x128xi32, #tpu.memory_space<hbm>> -> memref<40x128xi32, #tpu.memory_space<hbm>>
      %dma_wait3A_42 = arith.constant 0 : i32
      %dma_wait3A_43 = tpu.memref_slice %arg3[%add3A_3, %dma_wait3A_42] : memref<1280x128xi32, #tpu.memory_space<hbm>> -> memref<40x128xi32, #tpu.memory_space<hbm>>
      tpu.wait_dma2 semaphore(%run_scoped3A : memref<!tpu.dma_semaphore, #tpu.memory_space<semaphore_mem>>) src(%dma_wait3A_43 : memref<40x128xi32, #tpu.memory_space<hbm>>) dst(%arg8 : memref<40x128xi32, #tpu.memory_space<vmem>>)
      tpu.yield
    }) : () -> ()
    %dma_start3A = arith.constant 0 : i32
    %dma_start3A_4 = arith.constant 0 : i32
    %dma_start3A_5 = tpu.memref_slice %arg7[%dma_start3A, %dma_start3A_4] : memref<40x128xi32, #tpu.memory_space<vmem>> -> memref<1x128xi32, #tpu.memory_space<vmem>>
    %dma_start3A_6 = tpu.memref_squeeze %dma_start3A_5 : memref<1x128xi32, #tpu.memory_space<vmem>> -> memref<128xi32, #tpu.memory_space<vmem>>
    %dma_start3A_7 = arith.constant 0 : i32
    %dma_start3A_8 = arith.constant 0 : i32
    %dma_start3A_9 = tpu.memref_slice %arg4[%dma_start3A_7, %dma_start3A_8] : memref<20480x128xf32, #tpu.memory_space<hbm>> -> memref<20480x128xf32, #tpu.memory_space<hbm>>
    tpu.enqueue_indirect_dma source(%dma_start3A_9 : memref<20480x128xf32, #tpu.memory_space<hbm>>) target(%arg9 : memref<128x128xf32, #tpu.memory_space<vmem>>) offsets(%dma_start3A_6 : memref<128xi32, #tpu.memory_space<vmem>>) semaphore(%arg12 : memref<!tpu.dma_semaphore, #tpu.memory_space<semaphore_mem>>)
    %scan3A = arith.constant 0 : i32
    %scan3A_10 = arith.constant 0 : i32
    %scan3A_11 = arith.constant 20 : i32
    %scan3A_12 = arith.addi %scan3A_10, %scan3A_11 : i32
    %scan3A_13 = arith.constant 1 : i32
    scf.for %scan3A_37 = %scan3A_10 to %scan3A_12 step %scan3A_13  : i32 {
      %mul3A_38 = arith.constant 2 : i32
      %mul3A_39 = arith.muli %mul3A_38, %scan3A_37 : i32
      %add3A_40 = arith.constant 1 : i32
      %add3A_41 = arith.addi %mul3A_39, %add3A_40 : i32
      %dma_start3A_42 = arith.constant 0 : i32
      %dma_start3A_43 = tpu.memref_slice %arg7[%add3A_41, %dma_start3A_42] : memref<40x128xi32, #tpu.memory_space<vmem>> -> memref<1x128xi32, #tpu.memory_space<vmem>>
      %dma_start3A_44 = tpu.memref_squeeze %dma_start3A_43 : memref<1x128xi32, #tpu.memory_space<vmem>> -> memref<128xi32, #tpu.memory_space<vmem>>
      %dma_start3A_45 = arith.constant 0 : i32
      %dma_start3A_46 = arith.constant 0 : i32
      %dma_start3A_47 = tpu.memref_slice %arg4[%dma_start3A_45, %dma_start3A_46] : memref<20480x128xf32, #tpu.memory_space<hbm>> -> memref<20480x128xf32, #tpu.memory_space<hbm>>
      tpu.enqueue_indirect_dma source(%dma_start3A_47 : memref<20480x128xf32, #tpu.memory_space<hbm>>) target(%arg10 : memref<128x128xf32, #tpu.memory_space<vmem>>) offsets(%dma_start3A_44 : memref<128xi32, #tpu.memory_space<vmem>>) semaphore(%arg13 : memref<!tpu.dma_semaphore, #tpu.memory_space<semaphore_mem>>)
      %dma_wait3A = arith.constant 0 : i32
      %dma_wait3A_48 = arith.constant 0 : i32
      %dma_wait3A_49 = tpu.memref_slice %arg7[%dma_wait3A, %dma_wait3A_48] : memref<40x128xi32, #tpu.memory_space<vmem>> -> memref<1x128xi32, #tpu.memory_space<vmem>>
      %dma_wait3A_50 = tpu.memref_squeeze %dma_wait3A_49 : memref<1x128xi32, #tpu.memory_space<vmem>> -> memref<128xi32, #tpu.memory_space<vmem>>
      %dma_wait3A_51 = arith.constant 0 : i32
      %dma_wait3A_52 = arith.constant 0 : i32
      %dma_wait3A_53 = tpu.memref_slice %arg4[%dma_wait3A_51, %dma_wait3A_52] : memref<20480x128xf32, #tpu.memory_space<hbm>> -> memref<20480x128xf32, #tpu.memory_space<hbm>>
      tpu.wait_indirect_dma semaphore(%arg12 : memref<!tpu.dma_semaphore, #tpu.memory_space<semaphore_mem>>) src(%dma_wait3A_53 : memref<20480x128xf32, #tpu.memory_space<hbm>>) dst(%arg9 : memref<128x128xf32, #tpu.memory_space<vmem>>)
      "tpu.region"() ({
        %run_scoped3A = tpu.sem_alloc : memref<!tpu.dma_semaphore, #tpu.memory_space<semaphore_mem>>
        %dma_start3A_67 = arith.constant 0 : i32
        %dma_start3A_68 = tpu.memref_slice %arg8[%mul3A_39, %dma_start3A_67] : memref<40x128xi32, #tpu.memory_space<vmem>> -> memref<1x128xi32, #tpu.memory_space<vmem>>
        %dma_start3A_69 = tpu.memref_squeeze %dma_start3A_68 : memref<1x128xi32, #tpu.memory_space<vmem>> -> memref<128xi32, #tpu.memory_space<vmem>>
        %dma_start3A_70 = arith.constant 0 : i32
        %dma_start3A_71 = arith.constant 0 : i32
        %dma_start3A_72 = tpu.memref_slice %arg11[%dma_start3A_70, %dma_start3A_71] : memref<10240x128xf32, #tpu.memory_space<vmem_shared>> -> memref<10240x128xf32, #tpu.memory_space<vmem_shared>>
        tpu.enqueue_indirect_dma source(%arg9 : memref<128x128xf32, #tpu.memory_space<vmem>>) target(%dma_start3A_72 : memref<10240x128xf32, #tpu.memory_space<vmem_shared>>) offsets(%dma_start3A_69 : memref<128xi32, #tpu.memory_space<vmem>>) semaphore(%run_scoped3A : memref<!tpu.dma_semaphore, #tpu.memory_space<semaphore_mem>>) {add = true}
        %dma_wait3A_73 = arith.constant 0 : i32
        %dma_wait3A_74 = tpu.memref_slice %arg8[%mul3A_39, %dma_wait3A_73] : memref<40x128xi32, #tpu.memory_space<vmem>> -> memref<1x128xi32, #tpu.memory_space<vmem>>
        %dma_wait3A_75 = tpu.memref_squeeze %dma_wait3A_74 : memref<1x128xi32, #tpu.memory_space<vmem>> -> memref<128xi32, #tpu.memory_space<vmem>>
        %dma_wait3A_76 = arith.constant 0 : i32
        %dma_wait3A_77 = arith.constant 0 : i32
        %dma_wait3A_78 = tpu.memref_slice %arg11[%dma_wait3A_76, %dma_wait3A_77] : memref<10240x128xf32, #tpu.memory_space<vmem_shared>> -> memref<10240x128xf32, #tpu.memory_space<vmem_shared>>
        tpu.wait_indirect_dma semaphore(%run_scoped3A : memref<!tpu.dma_semaphore, #tpu.memory_space<semaphore_mem>>) src(%arg9 : memref<128x128xf32, #tpu.memory_space<vmem>>) dst(%dma_wait3A_78 : memref<10240x128xf32, #tpu.memory_space<vmem_shared>>)
        tpu.yield
      }) : () -> ()
      %add3A_54 = arith.constant 1 : i32
      %add3A_55 = arith.addi %scan3A_37, %add3A_54 : i32
      %lt3A = arith.constant 20 : i32
      %lt3A_56 = arith.cmpi slt, %add3A_55, %lt3A : i32
      %convert_element_type3A = arith.extui %lt3A_56 : i1 to i32
      %cond3A = arith.constant 0 : i32
      %cond3A_57 = arith.cmpi ne, %convert_element_type3A, %cond3A : i32
      scf.if %cond3A_57 {
        %add3A_67 = arith.constant 2 : i32
        %add3A_68 = arith.addi %mul3A_39, %add3A_67 : i32
        %dma_start3A_69 = arith.constant 0 : i32
        %dma_start3A_70 = tpu.memref_slice %arg7[%add3A_68, %dma_start3A_69] : memref<40x128xi32, #tpu.memory_space<vmem>> -> memref<1x128xi32, #tpu.memory_space<vmem>>
        %dma_start3A_71 = tpu.memref_squeeze %dma_start3A_70 : memref<1x128xi32, #tpu.memory_space<vmem>> -> memref<128xi32, #tpu.memory_space<vmem>>
        %dma_start3A_72 = arith.constant 0 : i32
        %dma_start3A_73 = arith.constant 0 : i32
        %dma_start3A_74 = tpu.memref_slice %arg4[%dma_start3A_72, %dma_start3A_73] : memref<20480x128xf32, #tpu.memory_space<hbm>> -> memref<20480x128xf32, #tpu.memory_space<hbm>>
        tpu.enqueue_indirect_dma source(%dma_start3A_74 : memref<20480x128xf32, #tpu.memory_space<hbm>>) target(%arg9 : memref<128x128xf32, #tpu.memory_space<vmem>>) offsets(%dma_start3A_71 : memref<128xi32, #tpu.memory_space<vmem>>) semaphore(%arg12 : memref<!tpu.dma_semaphore, #tpu.memory_space<semaphore_mem>>)
      } else {
      }
      %dma_wait3A_58 = arith.constant 0 : i32
      %dma_wait3A_59 = arith.constant 0 : i32
      %dma_wait3A_60 = tpu.memref_slice %arg7[%dma_wait3A_58, %dma_wait3A_59] : memref<40x128xi32, #tpu.memory_space<vmem>> -> memref<1x128xi32, #tpu.memory_space<vmem>>
      %dma_wait3A_61 = tpu.memref_squeeze %dma_wait3A_60 : memref<1x128xi32, #tpu.memory_space<vmem>> -> memref<128xi32, #tpu.memory_space<vmem>>
      %dma_wait3A_62 = arith.constant 0 : i32
      %dma_wait3A_63 = arith.constant 0 : i32
      %dma_wait3A_64 = tpu.memref_slice %arg4[%dma_wait3A_62, %dma_wait3A_63] : memref<20480x128xf32, #tpu.memory_space<hbm>> -> memref<20480x128xf32, #tpu.memory_space<hbm>>
      tpu.wait_indirect_dma semaphore(%arg13 : memref<!tpu.dma_semaphore, #tpu.memory_space<semaphore_mem>>) src(%dma_wait3A_64 : memref<20480x128xf32, #tpu.memory_space<hbm>>) dst(%arg10 : memref<128x128xf32, #tpu.memory_space<vmem>>)
      %add3A_65 = arith.constant 1 : i32
      %add3A_66 = arith.addi %mul3A_39, %add3A_65 : i32
      "tpu.region"() ({
        %run_scoped3A = tpu.sem_alloc : memref<!tpu.dma_semaphore, #tpu.memory_space<semaphore_mem>>
        %dma_start3A_67 = arith.constant 0 : i32
        %dma_start3A_68 = tpu.memref_slice %arg8[%add3A_66, %dma_start3A_67] : memref<40x128xi32, #tpu.memory_space<vmem>> -> memref<1x128xi32, #tpu.memory_space<vmem>>
        %dma_start3A_69 = tpu.memref_squeeze %dma_start3A_68 : memref<1x128xi32, #tpu.memory_space<vmem>> -> memref<128xi32, #tpu.memory_space<vmem>>
        %dma_start3A_70 = arith.constant 0 : i32
        %dma_start3A_71 = arith.constant 0 : i32
        %dma_start3A_72 = tpu.memref_slice %arg11[%dma_start3A_70, %dma_start3A_71] : memref<10240x128xf32, #tpu.memory_space<vmem_shared>> -> memref<10240x128xf32, #tpu.memory_space<vmem_shared>>
        tpu.enqueue_indirect_dma source(%arg10 : memref<128x128xf32, #tpu.memory_space<vmem>>) target(%dma_start3A_72 : memref<10240x128xf32, #tpu.memory_space<vmem_shared>>) offsets(%dma_start3A_69 : memref<128xi32, #tpu.memory_space<vmem>>) semaphore(%run_scoped3A : memref<!tpu.dma_semaphore, #tpu.memory_space<semaphore_mem>>) {add = true}
        %dma_wait3A_73 = arith.constant 0 : i32
        %dma_wait3A_74 = tpu.memref_slice %arg8[%add3A_66, %dma_wait3A_73] : memref<40x128xi32, #tpu.memory_space<vmem>> -> memref<1x128xi32, #tpu.memory_space<vmem>>
        %dma_wait3A_75 = tpu.memref_squeeze %dma_wait3A_74 : memref<1x128xi32, #tpu.memory_space<vmem>> -> memref<128xi32, #tpu.memory_space<vmem>>
        %dma_wait3A_76 = arith.constant 0 : i32
        %dma_wait3A_77 = arith.constant 0 : i32
        %dma_wait3A_78 = tpu.memref_slice %arg11[%dma_wait3A_76, %dma_wait3A_77] : memref<10240x128xf32, #tpu.memory_space<vmem_shared>> -> memref<10240x128xf32, #tpu.memory_space<vmem_shared>>
        tpu.wait_indirect_dma semaphore(%run_scoped3A : memref<!tpu.dma_semaphore, #tpu.memory_space<semaphore_mem>>) src(%arg10 : memref<128x128xf32, #tpu.memory_space<vmem>>) dst(%dma_wait3A_78 : memref<10240x128xf32, #tpu.memory_space<vmem_shared>>)
        tpu.yield
      }) : () -> ()
    }
    %scan3A_14 = arith.constant 20 : i32
    %mul3A_15 = arith.constant 80 : i32
    %mul3A_16 = arith.muli %arg1, %mul3A_15 : i32
    %add3A_17 = arith.constant 40 : i32
    %add3A_18 = arith.addi %mul3A_16, %add3A_17 : i32
    "tpu.region"() ({
      %run_scoped3A = tpu.sem_alloc : memref<!tpu.dma_semaphore, #tpu.memory_space<semaphore_mem>>
      %dma_start3A_37 = arith.constant 0 : i32
      %dma_start3A_38 = tpu.memref_slice %arg2[%arg0, %add3A_18, %dma_start3A_37] : memref<2x1280x128xi32, #tpu.memory_space<hbm>> -> memref<1x40x128xi32, #tpu.memory_space<hbm>>
      %dma_start3A_39 = tpu.memref_squeeze %dma_start3A_38 : memref<1x40x128xi32, #tpu.memory_space<hbm>> -> memref<40x128xi32, #tpu.memory_space<hbm>>
      %dma_start3A_40 = arith.constant 0 : i32
      %dma_start3A_41 = tpu.memref_slice %arg2[%arg0, %add3A_18, %dma_start3A_40] : memref<2x1280x128xi32, #tpu.memory_space<hbm>> -> memref<1x40x128xi32, #tpu.memory_space<hbm>>
      %dma_start3A_42 = tpu.memref_squeeze %dma_start3A_41 : memref<1x40x128xi32, #tpu.memory_space<hbm>> -> memref<40x128xi32, #tpu.memory_space<hbm>>
      tpu.enqueue_dma source(%dma_start3A_42 : memref<40x128xi32, #tpu.memory_space<hbm>>) target(%arg7 : memref<40x128xi32, #tpu.memory_space<vmem>>) target_semaphore(%run_scoped3A : memref<!tpu.dma_semaphore, #tpu.memory_space<semaphore_mem>>)
      %dma_wait3A = arith.constant 0 : i32
      %dma_wait3A_43 = tpu.memref_slice %arg2[%arg0, %add3A_18, %dma_wait3A] : memref<2x1280x128xi32, #tpu.memory_space<hbm>> -> memref<1x40x128xi32, #tpu.memory_space<hbm>>
      %dma_wait3A_44 = tpu.memref_squeeze %dma_wait3A_43 : memref<1x40x128xi32, #tpu.memory_space<hbm>> -> memref<40x128xi32, #tpu.memory_space<hbm>>
      %dma_wait3A_45 = arith.constant 0 : i32
      %dma_wait3A_46 = tpu.memref_slice %arg2[%arg0, %add3A_18, %dma_wait3A_45] : memref<2x1280x128xi32, #tpu.memory_space<hbm>> -> memref<1x40x128xi32, #tpu.memory_space<hbm>>
      %dma_wait3A_47 = tpu.memref_squeeze %dma_wait3A_46 : memref<1x40x128xi32, #tpu.memory_space<hbm>> -> memref<40x128xi32, #tpu.memory_space<hbm>>
      tpu.wait_dma2 semaphore(%run_scoped3A : memref<!tpu.dma_semaphore, #tpu.memory_space<semaphore_mem>>) src(%dma_wait3A_47 : memref<40x128xi32, #tpu.memory_space<hbm>>) dst(%arg7 : memref<40x128xi32, #tpu.memory_space<vmem>>)
      tpu.yield
    }) : () -> ()
    "tpu.region"() ({
      %run_scoped3A = tpu.sem_alloc : memref<!tpu.dma_semaphore, #tpu.memory_space<semaphore_mem>>
      %dma_start3A_37 = arith.constant 0 : i32
      %dma_start3A_38 = tpu.memref_slice %arg3[%add3A_18, %dma_start3A_37] : memref<1280x128xi32, #tpu.memory_space<hbm>> -> memref<40x128xi32, #tpu.memory_space<hbm>>
      %dma_start3A_39 = arith.constant 0 : i32
      %dma_start3A_40 = tpu.memref_slice %arg3[%add3A_18, %dma_start3A_39] : memref<1280x128xi32, #tpu.memory_space<hbm>> -> memref<40x128xi32, #tpu.memory_space<hbm>>
      tpu.enqueue_dma source(%dma_start3A_40 : memref<40x128xi32, #tpu.memory_space<hbm>>) target(%arg8 : memref<40x128xi32, #tpu.memory_space<vmem>>) target_semaphore(%run_scoped3A : memref<!tpu.dma_semaphore, #tpu.memory_space<semaphore_mem>>)
      %dma_wait3A = arith.constant 0 : i32
      %dma_wait3A_41 = tpu.memref_slice %arg3[%add3A_18, %dma_wait3A] : memref<1280x128xi32, #tpu.memory_space<hbm>> -> memref<40x128xi32, #tpu.memory_space<hbm>>
      %dma_wait3A_42 = arith.constant 0 : i32
      %dma_wait3A_43 = tpu.memref_slice %arg3[%add3A_18, %dma_wait3A_42] : memref<1280x128xi32, #tpu.memory_space<hbm>> -> memref<40x128xi32, #tpu.memory_space<hbm>>
      tpu.wait_dma2 semaphore(%run_scoped3A : memref<!tpu.dma_semaphore, #tpu.memory_space<semaphore_mem>>) src(%dma_wait3A_43 : memref<40x128xi32, #tpu.memory_space<hbm>>) dst(%arg8 : memref<40x128xi32, #tpu.memory_space<vmem>>)
      tpu.yield
    }) : () -> ()
    %dma_start3A_19 = arith.constant 0 : i32
    %dma_start3A_20 = arith.constant 0 : i32
    %dma_start3A_21 = tpu.memref_slice %arg7[%dma_start3A_19, %dma_start3A_20] : memref<40x128xi32, #tpu.memory_space<vmem>> -> memref<1x128xi32, #tpu.memory_space<vmem>>
    %dma_start3A_22 = tpu.memref_squeeze %dma_start3A_21 : memref<1x128xi32, #tpu.memory_space<vmem>> -> memref<128xi32, #tpu.memory_space<vmem>>
    %dma_start3A_23 = arith.constant 0 : i32
    %dma_start3A_24 = arith.constant 0 : i32
    %dma_start3A_25 = tpu.memref_slice %arg4[%dma_start3A_23, %dma_start3A_24] : memref<20480x128xf32, #tpu.memory_space<hbm>> -> memref<20480x128xf32, #tpu.memory_space<hbm>>
    tpu.enqueue_indirect_dma source(%dma_start3A_25 : memref<20480x128xf32, #tpu.memory_space<hbm>>) target(%arg9 : memref<128x128xf32, #tpu.memory_space<vmem>>) offsets(%dma_start3A_22 : memref<128xi32, #tpu.memory_space<vmem>>) semaphore(%arg12 : memref<!tpu.dma_semaphore, #tpu.memory_space<semaphore_mem>>)
    %scan3A_26 = arith.constant 0 : i32
    %scan3A_27 = arith.constant 0 : i32
    %scan3A_28 = arith.constant 20 : i32
    %scan3A_29 = arith.addi %scan3A_27, %scan3A_28 : i32
    %scan3A_30 = arith.constant 1 : i32
    scf.for %scan3A_37 = %scan3A_27 to %scan3A_29 step %scan3A_30  : i32 {
      %mul3A_38 = arith.constant 2 : i32
      %mul3A_39 = arith.muli %mul3A_38, %scan3A_37 : i32
      %add3A_40 = arith.constant 1 : i32
      %add3A_41 = arith.addi %mul3A_39, %add3A_40 : i32
      %dma_start3A_42 = arith.constant 0 : i32
      %dma_start3A_43 = tpu.memref_slice %arg7[%add3A_41, %dma_start3A_42] : memref<40x128xi32, #tpu.memory_space<vmem>> -> memref<1x128xi32, #tpu.memory_space<vmem>>
      %dma_start3A_44 = tpu.memref_squeeze %dma_start3A_43 : memref<1x128xi32, #tpu.memory_space<vmem>> -> memref<128xi32, #tpu.memory_space<vmem>>
      %dma_start3A_45 = arith.constant 0 : i32
      %dma_start3A_46 = arith.constant 0 : i32
      %dma_start3A_47 = tpu.memref_slice %arg4[%dma_start3A_45, %dma_start3A_46] : memref<20480x128xf32, #tpu.memory_space<hbm>> -> memref<20480x128xf32, #tpu.memory_space<hbm>>
      tpu.enqueue_indirect_dma source(%dma_start3A_47 : memref<20480x128xf32, #tpu.memory_space<hbm>>) target(%arg10 : memref<128x128xf32, #tpu.memory_space<vmem>>) offsets(%dma_start3A_44 : memref<128xi32, #tpu.memory_space<vmem>>) semaphore(%arg13 : memref<!tpu.dma_semaphore, #tpu.memory_space<semaphore_mem>>)
      %dma_wait3A = arith.constant 0 : i32
      %dma_wait3A_48 = arith.constant 0 : i32
      %dma_wait3A_49 = tpu.memref_slice %arg7[%dma_wait3A, %dma_wait3A_48] : memref<40x128xi32, #tpu.memory_space<vmem>> -> memref<1x128xi32, #tpu.memory_space<vmem>>
      %dma_wait3A_50 = tpu.memref_squeeze %dma_wait3A_49 : memref<1x128xi32, #tpu.memory_space<vmem>> -> memref<128xi32, #tpu.memory_space<vmem>>
      %dma_wait3A_51 = arith.constant 0 : i32
      %dma_wait3A_52 = arith.constant 0 : i32
      %dma_wait3A_53 = tpu.memref_slice %arg4[%dma_wait3A_51, %dma_wait3A_52] : memref<20480x128xf32, #tpu.memory_space<hbm>> -> memref<20480x128xf32, #tpu.memory_space<hbm>>
      tpu.wait_indirect_dma semaphore(%arg12 : memref<!tpu.dma_semaphore, #tpu.memory_space<semaphore_mem>>) src(%dma_wait3A_53 : memref<20480x128xf32, #tpu.memory_space<hbm>>) dst(%arg9 : memref<128x128xf32, #tpu.memory_space<vmem>>)
      "tpu.region"() ({
        %run_scoped3A = tpu.sem_alloc : memref<!tpu.dma_semaphore, #tpu.memory_space<semaphore_mem>>
        %dma_start3A_67 = arith.constant 0 : i32
        %dma_start3A_68 = tpu.memref_slice %arg8[%mul3A_39, %dma_start3A_67] : memref<40x128xi32, #tpu.memory_space<vmem>> -> memref<1x128xi32, #tpu.memory_space<vmem>>
        %dma_start3A_69 = tpu.memref_squeeze %dma_start3A_68 : memref<1x128xi32, #tpu.memory_space<vmem>> -> memref<128xi32, #tpu.memory_space<vmem>>
        %dma_start3A_70 = arith.constant 0 : i32
        %dma_start3A_71 = arith.constant 0 : i32
        %dma_start3A_72 = tpu.memref_slice %arg11[%dma_start3A_70, %dma_start3A_71] : memref<10240x128xf32, #tpu.memory_space<vmem_shared>> -> memref<10240x128xf32, #tpu.memory_space<vmem_shared>>
        tpu.enqueue_indirect_dma source(%arg9 : memref<128x128xf32, #tpu.memory_space<vmem>>) target(%dma_start3A_72 : memref<10240x128xf32, #tpu.memory_space<vmem_shared>>) offsets(%dma_start3A_69 : memref<128xi32, #tpu.memory_space<vmem>>) semaphore(%run_scoped3A : memref<!tpu.dma_semaphore, #tpu.memory_space<semaphore_mem>>) {add = true}
        %dma_wait3A_73 = arith.constant 0 : i32
        %dma_wait3A_74 = tpu.memref_slice %arg8[%mul3A_39, %dma_wait3A_73] : memref<40x128xi32, #tpu.memory_space<vmem>> -> memref<1x128xi32, #tpu.memory_space<vmem>>
        %dma_wait3A_75 = tpu.memref_squeeze %dma_wait3A_74 : memref<1x128xi32, #tpu.memory_space<vmem>> -> memref<128xi32, #tpu.memory_space<vmem>>
        %dma_wait3A_76 = arith.constant 0 : i32
        %dma_wait3A_77 = arith.constant 0 : i32
        %dma_wait3A_78 = tpu.memref_slice %arg11[%dma_wait3A_76, %dma_wait3A_77] : memref<10240x128xf32, #tpu.memory_space<vmem_shared>> -> memref<10240x128xf32, #tpu.memory_space<vmem_shared>>
        tpu.wait_indirect_dma semaphore(%run_scoped3A : memref<!tpu.dma_semaphore, #tpu.memory_space<semaphore_mem>>) src(%arg9 : memref<128x128xf32, #tpu.memory_space<vmem>>) dst(%dma_wait3A_78 : memref<10240x128xf32, #tpu.memory_space<vmem_shared>>)
        tpu.yield
      }) : () -> ()
      %add3A_54 = arith.constant 1 : i32
      %add3A_55 = arith.addi %scan3A_37, %add3A_54 : i32
      %lt3A = arith.constant 20 : i32
      %lt3A_56 = arith.cmpi slt, %add3A_55, %lt3A : i32
      %convert_element_type3A = arith.extui %lt3A_56 : i1 to i32
      %cond3A = arith.constant 0 : i32
      %cond3A_57 = arith.cmpi ne, %convert_element_type3A, %cond3A : i32
      scf.if %cond3A_57 {
        %add3A_67 = arith.constant 2 : i32
        %add3A_68 = arith.addi %mul3A_39, %add3A_67 : i32
        %dma_start3A_69 = arith.constant 0 : i32
        %dma_start3A_70 = tpu.memref_slice %arg7[%add3A_68, %dma_start3A_69] : memref<40x128xi32, #tpu.memory_space<vmem>> -> memref<1x128xi32, #tpu.memory_space<vmem>>
        %dma_start3A_71 = tpu.memref_squeeze %dma_start3A_70 : memref<1x128xi32, #tpu.memory_space<vmem>> -> memref<128xi32, #tpu.memory_space<vmem>>
        %dma_start3A_72 = arith.constant 0 : i32
        %dma_start3A_73 = arith.constant 0 : i32
        %dma_start3A_74 = tpu.memref_slice %arg4[%dma_start3A_72, %dma_start3A_73] : memref<20480x128xf32, #tpu.memory_space<hbm>> -> memref<20480x128xf32, #tpu.memory_space<hbm>>
        tpu.enqueue_indirect_dma source(%dma_start3A_74 : memref<20480x128xf32, #tpu.memory_space<hbm>>) target(%arg9 : memref<128x128xf32, #tpu.memory_space<vmem>>) offsets(%dma_start3A_71 : memref<128xi32, #tpu.memory_space<vmem>>) semaphore(%arg12 : memref<!tpu.dma_semaphore, #tpu.memory_space<semaphore_mem>>)
      } else {
      }
      %dma_wait3A_58 = arith.constant 0 : i32
      %dma_wait3A_59 = arith.constant 0 : i32
      %dma_wait3A_60 = tpu.memref_slice %arg7[%dma_wait3A_58, %dma_wait3A_59] : memref<40x128xi32, #tpu.memory_space<vmem>> -> memref<1x128xi32, #tpu.memory_space<vmem>>
      %dma_wait3A_61 = tpu.memref_squeeze %dma_wait3A_60 : memref<1x128xi32, #tpu.memory_space<vmem>> -> memref<128xi32, #tpu.memory_space<vmem>>
      %dma_wait3A_62 = arith.constant 0 : i32
      %dma_wait3A_63 = arith.constant 0 : i32
      %dma_wait3A_64 = tpu.memref_slice %arg4[%dma_wait3A_62, %dma_wait3A_63] : memref<20480x128xf32, #tpu.memory_space<hbm>> -> memref<20480x128xf32, #tpu.memory_space<hbm>>
      tpu.wait_indirect_dma semaphore(%arg13 : memref<!tpu.dma_semaphore, #tpu.memory_space<semaphore_mem>>) src(%dma_wait3A_64 : memref<20480x128xf32, #tpu.memory_space<hbm>>) dst(%arg10 : memref<128x128xf32, #tpu.memory_space<vmem>>)
      %add3A_65 = arith.constant 1 : i32
      %add3A_66 = arith.addi %mul3A_39, %add3A_65 : i32
      "tpu.region"() ({
        %run_scoped3A = tpu.sem_alloc : memref<!tpu.dma_semaphore, #tpu.memory_space<semaphore_mem>>
        %dma_start3A_67 = arith.constant 0 : i32
        %dma_start3A_68 = tpu.memref_slice %arg8[%add3A_66, %dma_start3A_67] : memref<40x128xi32, #tpu.memory_space<vmem>> -> memref<1x128xi32, #tpu.memory_space<vmem>>
        %dma_start3A_69 = tpu.memref_squeeze %dma_start3A_68 : memref<1x128xi32, #tpu.memory_space<vmem>> -> memref<128xi32, #tpu.memory_space<vmem>>
        %dma_start3A_70 = arith.constant 0 : i32
        %dma_start3A_71 = arith.constant 0 : i32
        %dma_start3A_72 = tpu.memref_slice %arg11[%dma_start3A_70, %dma_start3A_71] : memref<10240x128xf32, #tpu.memory_space<vmem_shared>> -> memref<10240x128xf32, #tpu.memory_space<vmem_shared>>
        tpu.enqueue_indirect_dma source(%arg10 : memref<128x128xf32, #tpu.memory_space<vmem>>) target(%dma_start3A_72 : memref<10240x128xf32, #tpu.memory_space<vmem_shared>>) offsets(%dma_start3A_69 : memref<128xi32, #tpu.memory_space<vmem>>) semaphore(%run_scoped3A : memref<!tpu.dma_semaphore, #tpu.memory_space<semaphore_mem>>) {add = true}
        %dma_wait3A_73 = arith.constant 0 : i32
        %dma_wait3A_74 = tpu.memref_slice %arg8[%add3A_66, %dma_wait3A_73] : memref<40x128xi32, #tpu.memory_space<vmem>> -> memref<1x128xi32, #tpu.memory_space<vmem>>
        %dma_wait3A_75 = tpu.memref_squeeze %dma_wait3A_74 : memref<1x128xi32, #tpu.memory_space<vmem>> -> memref<128xi32, #tpu.memory_space<vmem>>
        %dma_wait3A_76 = arith.constant 0 : i32
        %dma_wait3A_77 = arith.constant 0 : i32
        %dma_wait3A_78 = tpu.memref_slice %arg11[%dma_wait3A_76, %dma_wait3A_77] : memref<10240x128xf32, #tpu.memory_space<vmem_shared>> -> memref<10240x128xf32, #tpu.memory_space<vmem_shared>>
        tpu.wait_indirect_dma semaphore(%run_scoped3A : memref<!tpu.dma_semaphore, #tpu.memory_space<semaphore_mem>>) src(%arg10 : memref<128x128xf32, #tpu.memory_space<vmem>>) dst(%dma_wait3A_78 : memref<10240x128xf32, #tpu.memory_space<vmem_shared>>)
        tpu.yield
      }) : () -> ()
    }
    %scan3A_31 = arith.constant 20 : i32
    %barrier3A_32 = arith.constant 0 : index
    tpu.barrier barrier_id(%barrier3A_32)
    %mul3A_33 = arith.constant 640 : i32
    %mul3A_34 = arith.muli %arg1, %mul3A_33 : i32
    %mul3A_35 = arith.constant 640 : i32
    %mul3A_36 = arith.muli %arg1, %mul3A_35 : i32
    "tpu.region"() ({
      %run_scoped3A = tpu.sem_alloc : memref<!tpu.dma_semaphore, #tpu.memory_space<semaphore_mem>>
      %dma_start3A_37 = arith.constant 0 : i32
      %dma_start3A_38 = tpu.memref_slice %arg6[%arg0, %mul3A_36, %dma_start3A_37] : memref<2x10240x128xf32, #tpu.memory_space<hbm>> -> memref<1x640x128xf32, #tpu.memory_space<hbm>>
      %dma_start3A_39 = tpu.memref_squeeze %dma_start3A_38 : memref<1x640x128xf32, #tpu.memory_space<hbm>> -> memref<640x128xf32, #tpu.memory_space<hbm>>
      %dma_start3A_40 = arith.constant 0 : i32
      %dma_start3A_41 = tpu.memref_slice %arg11[%mul3A_34, %dma_start3A_40] : memref<10240x128xf32, #tpu.memory_space<vmem_shared>> -> memref<640x128xf32, #tpu.memory_space<vmem_shared>>
      tpu.enqueue_dma source(%dma_start3A_41 : memref<640x128xf32, #tpu.memory_space<vmem_shared>>) target(%dma_start3A_39 : memref<640x128xf32, #tpu.memory_space<hbm>>) target_semaphore(%run_scoped3A : memref<!tpu.dma_semaphore, #tpu.memory_space<semaphore_mem>>)
      %dma_wait3A = arith.constant 0 : i32
      %dma_wait3A_42 = tpu.memref_slice %arg6[%arg0, %mul3A_36, %dma_wait3A] : memref<2x10240x128xf32, #tpu.memory_space<hbm>> -> memref<1x640x128xf32, #tpu.memory_space<hbm>>
      %dma_wait3A_43 = tpu.memref_squeeze %dma_wait3A_42 : memref<1x640x128xf32, #tpu.memory_space<hbm>> -> memref<640x128xf32, #tpu.memory_space<hbm>>
      %dma_wait3A_44 = arith.constant 0 : i32
      %dma_wait3A_45 = tpu.memref_slice %arg11[%mul3A_34, %dma_wait3A_44] : memref<10240x128xf32, #tpu.memory_space<vmem_shared>> -> memref<640x128xf32, #tpu.memory_space<vmem_shared>>
      tpu.wait_dma2 semaphore(%run_scoped3A : memref<!tpu.dma_semaphore, #tpu.memory_space<semaphore_mem>>) src(%dma_wait3A_45 : memref<640x128xf32, #tpu.memory_space<vmem_shared>>) dst(%dma_wait3A_43 : memref<640x128xf32, #tpu.memory_space<hbm>>)
      tpu.yield
    }) : () -> ()
    return
  }
}

module attributes {stable_mosaic.version = 14 : i64} {
  func.func @_prep_body(%arg0: i32, %arg1: memref<400x256xf32, #tpu.memory_space<vmem>>, %arg2: memref<400x1xf32, #tpu.memory_space<vmem>>, %arg3: memref<800x128xf32, #tpu.memory_space<vmem>>) attributes {dimension_semantics = [#tpu.dimension_semantics<arbitrary>], iteration_bounds = array<i64: 25>, scalar_prefetch = 0 : i64, scratch_operands = 0 : i64, tpu.core_type = #tpu.core_type<tc>, window_params = [{transform_indices = @transform_0, window_bounds = array<i64: 400, 256>}, {transform_indices = @transform_1, window_bounds = array<i64: 400, 1>}, {transform_indices = @transform_2, window_bounds = array<i64: 800, 128>}]} {
    %get3A = arith.constant 0 : index
    %get3A_0 = arith.constant 0 : index
    %get3A_1 = vector.load %arg2[%get3A, %get3A_0] : memref<400x1xf32, #tpu.memory_space<vmem>>, vector<400x1xf32>
    %max3A = arith.constant 1.000000e+00 : f32
    %max3A_2 = vector.broadcast %max3A : f32 to vector<400x1xf32>
    %max3A_3 = arith.maximumf %get3A_1, %max3A_2 : vector<400x1xf32>
    %rsqrt3A = math.rsqrt %max3A_3 : vector<400x1xf32>
    %get3A_4 = arith.constant 0 : index
    %get3A_5 = arith.constant 0 : index
    %get3A_6 = vector.load %arg1[%get3A_4, %get3A_5] : memref<400x256xf32, #tpu.memory_space<vmem>>, vector<400x256xf32>
    %mul3A = vector.broadcast %rsqrt3A : vector<400x1xf32> to vector<400x256xf32>
    %mul3A_7 = arith.mulf %get3A_6, %mul3A : vector<400x256xf32>
    %reshape3A = vector.shape_cast %mul3A_7 : vector<400x256xf32> to vector<800x128xf32>
    %swap3A = arith.constant 0 : index
    %swap3A_8 = arith.constant 0 : index
    %swap3A_9 = vector.load %arg3[%swap3A, %swap3A_8] : memref<800x128xf32, #tpu.memory_space<vmem>>, vector<800x128xf32>
    tpu.vector_store %arg3[%swap3A, %swap3A_8], %reshape3A {strides = array<i32>} : memref<800x128xf32, #tpu.memory_space<vmem>>, vector<800x128xf32>,
    return
  }
  func.func @transform_0(%arg0: i32) -> (i32, i32) {
    %c0_i32 = arith.constant 0 : i32
    %c0_i32_0 = arith.constant 0 : i32
    return %arg0, %c0_i32 : i32, i32
  }
  func.func @transform_1(%arg0: i32) -> (i32, i32) {
    %c0_i32 = arith.constant 0 : i32
    %c0_i32_0 = arith.constant 0 : i32
    return %arg0, %c0_i32 : i32, i32
  }
  func.func @transform_2(%arg0: i32) -> (i32, i32) {
    %c0_i32 = arith.constant 0 : i32
    %c0_i32_0 = arith.constant 0 : i32
    return %arg0, %c0_i32 : i32, i32
  }
}

module attributes {stable_mosaic.version = 14 : i64} {
  func.func @_l1_body(%arg0: i32, %arg1: memref<1x400x128xf32, #tpu.memory_space<vmem>>, %arg2: memref<1x400x128xf32, #tpu.memory_space<vmem>>, %arg3: memref<400x1xf32, #tpu.memory_space<vmem>>, %arg4: memref<400x1xf32, #tpu.memory_space<vmem>>, %arg5: memref<256x256xf32, #tpu.memory_space<vmem>>, %arg6: memref<1x256xf32, #tpu.memory_space<vmem>>, %arg7: memref<400x256xf32, #tpu.memory_space<vmem>>, %arg8: memref<800x128xf32, #tpu.memory_space<vmem>>) attributes {dimension_semantics = [#tpu.dimension_semantics<arbitrary>], iteration_bounds = array<i64: 25>, scalar_prefetch = 0 : i64, scratch_operands = 0 : i64, tpu.core_type = #tpu.core_type<tc>, window_params = [{transform_indices = @transform_0, window_bounds = array<i64: 1, 400, 128>}, {transform_indices = @transform_1, window_bounds = array<i64: 1, 400, 128>}, {transform_indices = @transform_2, window_bounds = array<i64: 400, 1>}, {transform_indices = @transform_3, window_bounds = array<i64: 400, 1>}, {pipeline_mode = #tpu.pipeline_mode<synchronous>, transform_indices = @transform_4, window_bounds = array<i64: 256, 256>}, {pipeline_mode = #tpu.pipeline_mode<synchronous>, transform_indices = @transform_5, window_bounds = array<i64: 1, 256>}, {transform_indices = @transform_6, window_bounds = array<i64: 400, 256>}, {transform_indices = @transform_7, window_bounds = array<i64: 800, 128>}]} {
    %get3A = arith.constant 0 : index
    %get3A_0 = arith.constant 0 : index
    %get3A_1 = vector.load %arg3[%get3A, %get3A_0] : memref<400x1xf32, #tpu.memory_space<vmem>>, vector<400x1xf32>
    %max3A = arith.constant 1.000000e+00 : f32
    %max3A_2 = vector.broadcast %max3A : f32 to vector<400x1xf32>
    %max3A_3 = arith.maximumf %get3A_1, %max3A_2 : vector<400x1xf32>
    %rsqrt3A = math.rsqrt %max3A_3 : vector<400x1xf32>
    %get3A_4 = arith.constant 0 : index
    %get3A_5 = arith.constant 0 : index
    %get3A_6 = arith.constant 0 : index
    %get3A_7 = vector.load %arg1[%get3A_4, %get3A_5, %get3A_6] : memref<1x400x128xf32, #tpu.memory_space<vmem>>, vector<1x400x128xf32>
    %get3A_8 = vector.shape_cast %get3A_7 : vector<1x400x128xf32> to vector<400x128xf32>
    %mul3A = vector.broadcast %rsqrt3A : vector<400x1xf32> to vector<400x128xf32>
    %mul3A_9 = arith.mulf %get3A_8, %mul3A : vector<400x128xf32>
    %get3A_10 = arith.constant 0 : index
    %get3A_11 = arith.constant 0 : index
    %get3A_12 = arith.constant 0 : index
    %get3A_13 = vector.load %arg2[%get3A_10, %get3A_11, %get3A_12] : memref<1x400x128xf32, #tpu.memory_space<vmem>>, vector<1x400x128xf32>
    %get3A_14 = vector.shape_cast %get3A_13 : vector<1x400x128xf32> to vector<400x128xf32>
    %mul3A_15 = vector.broadcast %rsqrt3A : vector<400x1xf32> to vector<400x128xf32>
    %mul3A_16 = arith.mulf %get3A_14, %mul3A_15 : vector<400x128xf32>
    %get3A_17 = arith.constant 0 : index
    %get3A_18 = arith.constant 0 : index
    %get3A_19 = vector.load %arg5[%get3A_17, %get3A_18] : memref<256x256xf32, #tpu.memory_space<vmem>>, vector<128x256xf32>
    %dot_general3A = arith.constant dense<0.000000e+00> : vector<400x256xf32>
    %dot_general3A_20 = tpu.matmul %mul3A_9, %get3A_19, %dot_general3A {dimension_numbers = #tpu.dot_dimension_numbers<[1], [0], [0], [1], [0, 0, 1, 1], [], []>, transpose_lhs_hint = false} : vector<400x128xf32>, vector<128x256xf32>, vector<400x256xf32> -> vector<400x256xf32>
    %get3A_21 = arith.constant 128 : index
    %get3A_22 = arith.constant 0 : index
    %get3A_23 = vector.load %arg5[%get3A_21, %get3A_22] : memref<256x256xf32, #tpu.memory_space<vmem>>, vector<128x256xf32>
    %dot_general3A_24 = arith.constant dense<0.000000e+00> : vector<400x256xf32>
    %dot_general3A_25 = tpu.matmul %mul3A_16, %get3A_23, %dot_general3A_24 {dimension_numbers = #tpu.dot_dimension_numbers<[1], [0], [0], [1], [0, 0, 1, 1], [], []>, transpose_lhs_hint = false} : vector<400x128xf32>, vector<128x256xf32>, vector<400x256xf32> -> vector<400x256xf32>
    %add3A = arith.addf %dot_general3A_20, %dot_general3A_25 : vector<400x256xf32>
    %get3A_26 = arith.constant 0 : index
    %get3A_27 = arith.constant 0 : index
    %get3A_28 = vector.load %arg6[%get3A_26, %get3A_27] : memref<1x256xf32, #tpu.memory_space<vmem>>, vector<1x256xf32>
    %add3A_29 = vector.broadcast %get3A_28 : vector<1x256xf32> to vector<400x256xf32>
    %add3A_30 = arith.addf %add3A, %add3A_29 : vector<400x256xf32>
    %max3A_31 = arith.constant 0.000000e+00 : f32
    %max3A_32 = vector.broadcast %max3A_31 : f32 to vector<400x256xf32>
    %max3A_33 = arith.maximumf %add3A_30, %max3A_32 : vector<400x256xf32>
    %swap3A = arith.constant 0 : index
    %swap3A_34 = arith.constant 0 : index
    %swap3A_35 = vector.load %arg7[%swap3A, %swap3A_34] : memref<400x256xf32, #tpu.memory_space<vmem>>, vector<400x256xf32>
    tpu.vector_store %arg7[%swap3A, %swap3A_34], %max3A_33 {strides = array<i32>} : memref<400x256xf32, #tpu.memory_space<vmem>>, vector<400x256xf32>,
    %get3A_36 = arith.constant 0 : index
    %get3A_37 = arith.constant 0 : index
    %get3A_38 = vector.load %arg4[%get3A_36, %get3A_37] : memref<400x1xf32, #tpu.memory_space<vmem>>, vector<400x1xf32>
    %max3A_39 = arith.constant 1.000000e+00 : f32
    %max3A_40 = vector.broadcast %max3A_39 : f32 to vector<400x1xf32>
    %max3A_41 = arith.maximumf %get3A_38, %max3A_40 : vector<400x1xf32>
    %rsqrt3A_42 = math.rsqrt %max3A_41 : vector<400x1xf32>
    %mul3A_43 = vector.broadcast %rsqrt3A_42 : vector<400x1xf32> to vector<400x256xf32>
    %mul3A_44 = arith.mulf %max3A_33, %mul3A_43 : vector<400x256xf32>
    %reshape3A = vector.shape_cast %mul3A_44 : vector<400x256xf32> to vector<800x128xf32>
    %swap3A_45 = arith.constant 0 : index
    %swap3A_46 = arith.constant 0 : index
    %swap3A_47 = vector.load %arg8[%swap3A_45, %swap3A_46] : memref<800x128xf32, #tpu.memory_space<vmem>>, vector<800x128xf32>
    tpu.vector_store %arg8[%swap3A_45, %swap3A_46], %reshape3A {strides = array<i32>} : memref<800x128xf32, #tpu.memory_space<vmem>>, vector<800x128xf32>,
    return
  }
  func.func @transform_0(%arg0: i32) -> (i32, i32, i32) {
    %c0_i32 = arith.constant 0 : i32
    %c0_i32_0 = arith.constant 0 : i32
    %c0_i32_1 = arith.constant 0 : i32
    return %c0_i32, %arg0, %c0_i32_0 : i32, i32, i32
  }
  func.func @transform_1(%arg0: i32) -> (i32, i32, i32) {
    %c1_i32 = arith.constant 1 : i32
    %c0_i32 = arith.constant 0 : i32
    %c0_i32_0 = arith.constant 0 : i32
    return %c1_i32, %arg0, %c0_i32 : i32, i32, i32
  }
  func.func @transform_2(%arg0: i32) -> (i32, i32) {
    %c0_i32 = arith.constant 0 : i32
    %c0_i32_0 = arith.constant 0 : i32
    return %arg0, %c0_i32 : i32, i32
  }
  func.func @transform_3(%arg0: i32) -> (i32, i32) {
    %c0_i32 = arith.constant 0 : i32
    %c0_i32_0 = arith.constant 0 : i32
    return %arg0, %c0_i32 : i32, i32
  }
  func.func @transform_4(%arg0: i32) -> (i32, i32) {
    %c0_i32 = arith.constant 0 : i32
    %c0_i32_0 = arith.constant 0 : i32
    %c0_i32_1 = arith.constant 0 : i32
    return %c0_i32, %c0_i32_0 : i32, i32
  }
  func.func @transform_5(%arg0: i32) -> (i32, i32) {
    %c0_i32 = arith.constant 0 : i32
    %c0_i32_0 = arith.constant 0 : i32
    %c0_i32_1 = arith.constant 0 : i32
    return %c0_i32, %c0_i32_0 : i32, i32
  }
  func.func @transform_6(%arg0: i32) -> (i32, i32) {
    %c0_i32 = arith.constant 0 : i32
    %c0_i32_0 = arith.constant 0 : i32
    return %arg0, %c0_i32 : i32, i32
  }
  func.func @transform_7(%arg0: i32) -> (i32, i32) {
    %c0_i32 = arith.constant 0 : i32
    %c0_i32_0 = arith.constant 0 : i32
    return %arg0, %c0_i32 : i32, i32
  }
}

module attributes {stable_mosaic.version = 14 : i64} {
  func.func @_l2_body(%arg0: i32, %arg1: memref<1x400x128xf32, #tpu.memory_space<vmem>>, %arg2: memref<1x400x128xf32, #tpu.memory_space<vmem>>, %arg3: memref<400x1xf32, #tpu.memory_space<vmem>>, %arg4: memref<256x256xf32, #tpu.memory_space<vmem>>, %arg5: memref<1x256xf32, #tpu.memory_space<vmem>>, %arg6: memref<400x256xf32, #tpu.memory_space<vmem>>) attributes {dimension_semantics = [#tpu.dimension_semantics<arbitrary>], iteration_bounds = array<i64: 25>, scalar_prefetch = 0 : i64, scratch_operands = 0 : i64, tpu.core_type = #tpu.core_type<tc>, window_params = [{transform_indices = @transform_0, window_bounds = array<i64: 1, 400, 128>}, {transform_indices = @transform_1, window_bounds = array<i64: 1, 400, 128>}, {transform_indices = @transform_2, window_bounds = array<i64: 400, 1>}, {pipeline_mode = #tpu.pipeline_mode<synchronous>, transform_indices = @transform_3, window_bounds = array<i64: 256, 256>}, {pipeline_mode = #tpu.pipeline_mode<synchronous>, transform_indices = @transform_4, window_bounds = array<i64: 1, 256>}, {transform_indices = @transform_5, window_bounds = array<i64: 400, 256>}]} {
    %get3A = arith.constant 0 : index
    %get3A_0 = arith.constant 0 : index
    %get3A_1 = vector.load %arg3[%get3A, %get3A_0] : memref<400x1xf32, #tpu.memory_space<vmem>>, vector<400x1xf32>
    %max3A = arith.constant 1.000000e+00 : f32
    %max3A_2 = vector.broadcast %max3A : f32 to vector<400x1xf32>
    %max3A_3 = arith.maximumf %get3A_1, %max3A_2 : vector<400x1xf32>
    %rsqrt3A = math.rsqrt %max3A_3 : vector<400x1xf32>
    %get3A_4 = arith.constant 0 : index
    %get3A_5 = arith.constant 0 : index
    %get3A_6 = arith.constant 0 : index
    %get3A_7 = vector.load %arg1[%get3A_4, %get3A_5, %get3A_6] : memref<1x400x128xf32, #tpu.memory_space<vmem>>, vector<1x400x128xf32>
    %get3A_8 = vector.shape_cast %get3A_7 : vector<1x400x128xf32> to vector<400x128xf32>
    %mul3A = vector.broadcast %rsqrt3A : vector<400x1xf32> to vector<400x128xf32>
    %mul3A_9 = arith.mulf %get3A_8, %mul3A : vector<400x128xf32>
    %get3A_10 = arith.constant 0 : index
    %get3A_11 = arith.constant 0 : index
    %get3A_12 = arith.constant 0 : index
    %get3A_13 = vector.load %arg2[%get3A_10, %get3A_11, %get3A_12] : memref<1x400x128xf32, #tpu.memory_space<vmem>>, vector<1x400x128xf32>
    %get3A_14 = vector.shape_cast %get3A_13 : vector<1x400x128xf32> to vector<400x128xf32>
    %mul3A_15 = vector.broadcast %rsqrt3A : vector<400x1xf32> to vector<400x128xf32>
    %mul3A_16 = arith.mulf %get3A_14, %mul3A_15 : vector<400x128xf32>
    %get3A_17 = arith.constant 0 : index
    %get3A_18 = arith.constant 0 : index
    %get3A_19 = vector.load %arg4[%get3A_17, %get3A_18] : memref<256x256xf32, #tpu.memory_space<vmem>>, vector<128x256xf32>
    %dot_general3A = arith.constant dense<0.000000e+00> : vector<400x256xf32>
    %dot_general3A_20 = tpu.matmul %mul3A_9, %get3A_19, %dot_general3A {dimension_numbers = #tpu.dot_dimension_numbers<[1], [0], [0], [1], [0, 0, 1, 1], [], []>, transpose_lhs_hint = false} : vector<400x128xf32>, vector<128x256xf32>, vector<400x256xf32> -> vector<400x256xf32>
    %get3A_21 = arith.constant 128 : index
    %get3A_22 = arith.constant 0 : index
    %get3A_23 = vector.load %arg4[%get3A_21, %get3A_22] : memref<256x256xf32, #tpu.memory_space<vmem>>, vector<128x256xf32>
    %dot_general3A_24 = arith.constant dense<0.000000e+00> : vector<400x256xf32>
    %dot_general3A_25 = tpu.matmul %mul3A_16, %get3A_23, %dot_general3A_24 {dimension_numbers = #tpu.dot_dimension_numbers<[1], [0], [0], [1], [0, 0, 1, 1], [], []>, transpose_lhs_hint = false} : vector<400x128xf32>, vector<128x256xf32>, vector<400x256xf32> -> vector<400x256xf32>
    %add3A = arith.addf %dot_general3A_20, %dot_general3A_25 : vector<400x256xf32>
    %get3A_26 = arith.constant 0 : index
    %get3A_27 = arith.constant 0 : index
    %get3A_28 = vector.load %arg5[%get3A_26, %get3A_27] : memref<1x256xf32, #tpu.memory_space<vmem>>, vector<1x256xf32>
    %add3A_29 = vector.broadcast %get3A_28 : vector<1x256xf32> to vector<400x256xf32>
    %add3A_30 = arith.addf %add3A, %add3A_29 : vector<400x256xf32>
    %swap3A = arith.constant 0 : index
    %swap3A_31 = arith.constant 0 : index
    %swap3A_32 = vector.load %arg6[%swap3A, %swap3A_31] : memref<400x256xf32, #tpu.memory_space<vmem>>, vector<400x256xf32>
    tpu.vector_store %arg6[%swap3A, %swap3A_31], %add3A_30 {strides = array<i32>} : memref<400x256xf32, #tpu.memory_space<vmem>>, vector<400x256xf32>,
    return
  }
  func.func @transform_0(%arg0: i32) -> (i32, i32, i32) {
    %c0_i32 = arith.constant 0 : i32
    %c0_i32_0 = arith.constant 0 : i32
    %c0_i32_1 = arith.constant 0 : i32
    return %c0_i32, %arg0, %c0_i32_0 : i32, i32, i32
  }
  func.func @transform_1(%arg0: i32) -> (i32, i32, i32) {
    %c1_i32 = arith.constant 1 : i32
    %c0_i32 = arith.constant 0 : i32
    %c0_i32_0 = arith.constant 0 : i32
    return %c1_i32, %arg0, %c0_i32 : i32, i32, i32
  }
  func.func @transform_2(%arg0: i32) -> (i32, i32) {
    %c0_i32 = arith.constant 0 : i32
    %c0_i32_0 = arith.constant 0 : i32
    return %arg0, %c0_i32 : i32, i32
  }
  func.func @transform_3(%arg0: i32) -> (i32, i32) {
    %c0_i32 = arith.constant 0 : i32
    %c0_i32_0 = arith.constant 0 : i32
    %c0_i32_1 = arith.constant 0 : i32
    return %c0_i32, %c0_i32_0 : i32, i32
  }
  func.func @transform_4(%arg0: i32) -> (i32, i32) {
    %c0_i32 = arith.constant 0 : i32
    %c0_i32_0 = arith.constant 0 : i32
    %c0_i32_1 = arith.constant 0 : i32
    return %c0_i32, %c0_i32_0 : i32, i32
  }
  func.func @transform_5(%arg0: i32) -> (i32, i32) {
    %c0_i32 = arith.constant 0 : i32
    %c0_i32_0 = arith.constant 0 : i32
    return %arg0, %c0_i32 : i32, i32
  }
}

</mosaic_0001>

<sc_bundles>
// kernel: kernel.11.cloned.1.call-start
scs
__scs_entry_jumppad:
0x0: {  	(pc) =	sbr.rel $0x88, $3  }
0x1: {  	(tag) =	ssettag $0x0;
	lr =	simm.s32 $0x1  }
0x2: {  	[smem:$0x3F9B] =	sst lr;
	_ =	strace $0xD0000000  }
0x3: {  	_ = 	snop  }
0x4: {  	_ = 	snop  }
0x5: {  	_ = 	snop  }
0x6: {  	_ = 	snop  }
0x7: {  	_ = 	snop  }
__scs_overlays_trampoline_lowered:
0x8: {  	[smem:$0x3FAA] =	sst s0  }
0x9: {  	[smem:$0x3FAB] =	sst s1  }
0xa: {  	[smem:$0x3FAC] =	sst s2  }
0xb: {  	[smem:$0x3FAD] =	sst s3  }
0xc: {  	[smem:$0x3FAE] =	sst s4  }
0xd: {  	[smem:$0x3FAF] =	sst s5  }
0xe: {  	[smem:$0x3FB0] =	sst s6  }
0xf: {  	[smem:$0x3FB1] =	sst s7  }
0x10: {  	[smem:$0x3FB2] =	sst s8  }
0x11: {  	[smem:$0x3FB3] =	sst s9;
	s0 =	simm.s32 @!p0 $0x0  }
0x12: {  	s1 =	sld [smem:$0x3F99];
	s0 =	simm.s32 @p0 $0x1  }
0x13: {  	[smem:$0x3FB4] =	sst s0;
	s0 =	simm.s32 @!p1 $0x0  }
0x14: {  	s2 =	sld [smem:$0x3F98];
	s0 =	simm.s32 @p1 $0x1  }
0x15: {  	[smem:$0x3FB5] =	sst s0;
	s0 =	simm.s32 @!p2 $0x0  }
0x16: {  	s3 =	sld [smem:$0x3FDB];
	s0 =	simm.s32 @p2 $0x1  }
0x17: {  	s4 =	simm.s32 $0x1BF5;
	[smem:$0x3FB7] =	sst s0  }
0x18: {  	s0 =	sld [smem:$0x3F9A];
	_ =	swait.ge [sflag:s4], $0x0  }
0x19: {  	s7 =	sld [smem:$0x3F9B]  }
0x1a: {  	s8 =	sadd.s32 $0xFFFFE003, lr  }
0x1b: {  	s9 =	sadd.s32 $0xFFFFFEF7, lr;
	s5 =	simm.s32 $0xFFFFFFFF;
	p2 =	slt.u32 s8, $0xFFFFF086  }
0x1c: {  	p1 =	slt.u32 s9, $0xF7A;
	s5 =	simm.s32 @!p2 $0x0  }
0x1d: {  	s5 =	simm.s32 @p1 $0x1;
	p0 =	seq.s32 s7, s2  }
0x1e: {  	s7 =	smul.u32 @!p0 $0xF7A, s2;
	p2 =	seq.s32 @!p0 s5, $0x0  }
0x1f: {  	s9 =	smul.u32 $0xF7A, s1;
	s8 =	simm.s32 @!p0 $0x1BF5;
	p2 =	por !p2, p0  }
0x20: {  	[sflag:s8] =	ssyncset.s32 @!p0 $0xFFFFF086;
	s6 =	sadd.s32 @!p0 s3, s7;
	s7 =	simm.s32 @!p0 $0x108  }
0x21: {  	s3 =	sadd.s32 s3, s9;
	s6 =	sadd.s32 @!p0 $0x88, s6;
	s7 =	simm.s32 @p2 $0x1082  }
0x22: {  	[simem:s7], [sflag:s8] =	dma.local @!p0 [hbm:s6], $0xF7A  }
0x23: {  	s9 =	sor.u32 $0xD0000000, s2;
	s6 =	simm.s32 $0x108;
	_ =	swait.ge @!p0 [sflag:s8], $0x0  }
0x24: {  	s3 =	sadd.s32 $0x88, s3;
	s6 =	simm.s32 @!p1 $0x1082;
	[sflag:s4] =	ssyncset.s32 $0xFFFFF086  }
0x25: {  	[simem:s6], [sflag:s4] =	dma.local [hbm:s3], $0xF7A  }
0x26: {  	[smem:$0x3F9B] =	sst s1;
	(tag) =	ssettag s2;
	_ =	strace s9  }
0x27: {  	s1 =	sld [smem:$0x3FAB]  }
0x28: {  	s2 =	sld [smem:$0x3FAC]  }
0x29: {  	s4 =	sld [smem:$0x3FAE]  }
0x2a: {  	p0 =	seq.s32 s5, $0x0;
	s5 =	sld [smem:$0x3FAF]  }
0x2b: {  	s6 =	sld [smem:$0x3FB0]  }
0x2c: {  	s7 =	sld [smem:$0x3FB1]  }
0x2d: {  	s3 =	simm.s32 $0x108;
	s8 =	sld [smem:$0x3FB2]  }
0x2e: {  	s3 =	simm.s32 @!p0 $0x1082;
	s9 =	sld [smem:$0x3FB3]  }
0x2f: {  	lr =	sadd.s32 s0, s3;
	s0 =	sld [smem:$0x3FAA]  }
0x30: {  	s3 =	sld [smem:$0x3FAD]  }
0x31: {  	[smem:$0x3FB6] =	sst s10  }
0x32: {  	s10 =	sld [smem:$0x3FB4];
	_ =	sdelay $0x3  }
0x33: {  	p0 =	seq.s32 s10, $0x1;
	s10 =	sld [smem:$0x3FB6];
	_ =	sdelay $0x3  }
0x34: {  	[smem:$0x3FB6] =	sst s10  }
0x35: {  	s10 =	sld [smem:$0x3FB5];
	_ =	sdelay $0x3  }
0x36: {  	p1 =	seq.s32 s10, $0x1;
	s10 =	sld [smem:$0x3FB6];
	_ =	sdelay $0x3  }
0x37: {  	[smem:$0x3FB6] =	sst s10  }
0x38: {  	s10 =	sld [smem:$0x3FB7]  }
0x39: {  	_ = 	snop;
	(pc) =	sbr.ind lr, $3  }
0x3a: {  	_ = 	snop  }
0x3b: {  	_ = 	snop  }
0x3c: {  	p2 =	seq.s32 s10, $0x1;
	s10 =	sld [smem:$0x3FB6]  }
0x3d: {  	_ =	shalt  }
0x3e: {  	_ =	shalt  }
0x3f: {  	_ =	shalt  }
0x40: {  	_ =	shalt  }
0x41: {  	_ =	shalt  }
0x42: {  	_ =	shalt  }
0x43: {  	_ =	shalt  }
0x44: {  	_ =	shalt  }
0x45: {  	_ =	shalt  }
0x46: {  	_ =	shalt  }
0x47: {  	_ =	shalt  }
0x48: {  	_ =	shalt  }
0x49: {  	_ =	shalt  }
0x4a: {  	_ =	shalt  }
0x4b: {  	_ =	shalt  }
0x4c: {  	_ =	shalt  }
0x4d: {  	_ =	shalt  }
0x4e: {  	_ =	shalt  }
0x4f: {  	_ =	shalt  }
0x50: {  	_ =	shalt  }
0x51: {  	_ =	shalt  }
0x52: {  	_ =	shalt  }
0x53: {  	_ =	shalt  }
0x54: {  	_ =	shalt  }
0x55: {  	_ =	shalt  }
0x56: {  	_ =	shalt  }
0x57: {  	_ =	shalt  }
0x58: {  	_ =	shalt  }
0x59: {  	_ =	shalt  }
0x5a: {  	_ =	shalt  }
0x5b: {  	_ =	shalt  }
0x5c: {  	_ =	shalt  }
0x5d: {  	_ =	shalt  }
0x5e: {  	_ =	shalt  }
0x5f: {  	_ =	shalt  }
0x60: {  	_ =	shalt  }
0x61: {  	_ =	shalt  }
0x62: {  	_ =	shalt  }
0x63: {  	_ =	shalt  }
0x64: {  	_ =	shalt  }
0x65: {  	_ =	shalt  }
0x66: {  	_ =	shalt  }
0x67: {  	_ =	shalt  }
0x68: {  	_ =	shalt  }
0x69: {  	_ =	shalt  }
0x6a: {  	_ =	shalt  }
0x6b: {  	_ =	shalt  }
0x6c: {  	_ =	shalt  }
0x6d: {  	_ =	shalt  }
0x6e: {  	_ =	shalt  }
0x6f: {  	_ =	shalt  }
0x70: {  	_ =	shalt  }
0x71: {  	_ =	shalt  }
0x72: {  	_ =	shalt  }
0x73: {  	_ =	shalt  }
0x74: {  	_ =	shalt  }
0x75: {  	_ =	shalt  }
0x76: {  	_ =	shalt  }
0x77: {  	_ =	shalt  }
0x78: {  	_ =	shalt  }
0x79: {  	_ =	shalt  }
0x7a: {  	_ =	shalt  }
0x7b: {  	_ =	shalt  }
0x7c: {  	_ =	shalt  }
0x7d: {  	_ =	shalt  }
0x7e: {  	_ =	shalt  }
0x7f: {  	_ =	shalt  }
0x80: {  	_ =	shalt  }
0x81: {  	_ =	shalt  }
0x82: {  	_ =	shalt  }
0x83: {  	_ =	shalt  }
0x84: {  	_ =	shalt  }
0x85: {  	_ =	shalt  }
0x86: {  	_ =	shalt  }
0x87: {  	_ =	shalt  }
.Lfunc_end0:
.L_simem_size_0:
called_computation.1_lowered:
.L_overlay_start_0:
0x88: {  	s2 =	sld [smem:$0x3FD9]  }
0x89: {  	s3 =	sld [smem:$0x3FFE];
	_ =	sdelay $0x1  }
0x8a: {  	s1 =	srdreg.scid  }
0x8b: {  	s0 =	sand.u32 $0x1, s1  }
0x8c: {  	s14 =	sshll.u32 s0, $0xA;
	s2 =	sadd.s32 s3, s2  }
0x8d: {  	s2 =	sadd.s32 s2, s14  }
0x8e: {  	[smem:$0x3FC2] =	sst s2  }
0x8f: {  	_ = 	snop  }
0x90: {  	s2 =	sld [smem:$0x3FD0];
	_ =	sdelay $0x2  }
0x91: {  	s15 =	simm.s32 $0xA;
	s4 =	simm.s32 $0x10  }
0x92: {  	[smem:s4], [sflag:s15] =	dma.local [hbm:s2], $0x1  }
0x93: {  	_ =	swait.eq [sflag:s15], $0x1  }
0x94: {  	[sflag:s15] =	ssyncset.done $0x0  }
0x95: {  	s16 =	sld [smem:$0x10];
	[sflag:s15] =	ssyncadd.s32 $0xFFFFFFFF  }
0x96: {  	s17 =	sld [smem:$0x12];
	(tm) =	ssettm $0x1  }
0x97: {  	s18 =	sld [smem:$0x3FFB];
	_ =	sdelay $0x3  }
0x98: {  	_ =	strace s18  }
0x99: {  	s4 =	sld [smem:$0x3FFC];
	_ =	sdelay $0x3  }
0x9a: {  	_ =	strace s4  }
0x9b: {  	s4 =	sld [smem:$0x3FFD];
	_ =	sdelay $0x3  }
0x9c: {  	_ =	strace s4  }
0x9d: {  	_ =	strace $0x8FFFFFFF  }
0x9e: {  	s19 =	sld [smem:$0x3FDB];
	_ =	sdelay $0x1  }
0x9f: {  	s5 =	simm.s32 $_scs_section_size  }
0xa0: {  	s6 =	simm.s32 $_size__tile_overlayer_lowered;
	s7 =	simm.s32 $_tile_overlayer_lowered  }
0xa1: {  	s22 =	simm.s32 $0x1BFF;
	s21 =	sshll.u32 s7, $0x1;
	s4 =	sadd.s32 s5, s19  }
0xa2: {  	s8 =	simm.s32 $0x0;
	s20 =	sshll.u32 s6, $0x1;
	s6 =	sadd.s32 s21, s4  }
0xa3: {  	[timem:s8], [sflag:s22] =	dma.local [hbm:s6], s20  }
0xa4: {  	_ =	swait.ge [sflag:s22], s20  }
0xa5: {  	s5 =	ssub.s32 $0x0, s20;
	[sflag:s22] =	ssyncset.done $0x0  }
0xa6: {  	[sflag:s22] =	ssyncadd.s32 s5;
	_ =	sdelay $0x1  }
0xa7: {  	s23 =	simm.s32 $0x1B8B  }
0xa8: {  	_ =	swait.ge [sflag:s23], $0x1  }
0xa9: {  	[sflag:s23] =	ssyncset.done $0x0  }
0xaa: {  	s25 =	simm.s32 $0x1B8E;
	s24 =	sld [smem:$0x3FFE];
	[sflag:s23] =	ssyncadd.s32 $0xFFFFFFFF  }
0xab: {  	s26 =	simm.s32 $execute0_lowered;
	[smem:$0x3FD2] =	sst s25  }
0xac: {  	s6 =	sshll.u32 s26, $0x1;
	_ =	strace $0x80000049;
	[dreg:$0x1] =	wrdreg $0xFFFFFFFF  }
0xad: {  	s28 =	simm.s32 $_size_execute0_lowered;
	s4 =	sadd.s32 s4, s6;
	[dreg:$0x0] =	wrdreg $0x0  }
0xae: {  	s6 =	sshll.u32 s28, $0x1;
	[dreg:$0x2] =	wrdreg s4  }
0xaf: {  	[dreg:$0x3] =	wrdreg s6  }
0xb0: {  	[dreg:$0x4] =	wrdreg $0xC0  }
0xb1: {  	_ =	task [dreg:s8], $0x5FFFF  }
0xb2: {  	[dreg:$0x1] =	wrdreg $0xFFFFFFFF  }
0xb3: {  	[dreg:$0x0] =	wrdreg $0x60  }
0xb4: {  	[dreg:$0x2] =	wrdreg s17  }
0xb5: {  	[dreg:$0x3] =	wrdreg s16  }
0xb6: {  	[dreg:$0x4] =	wrdreg s24  }
0xb7: {  	[dreg:$0x5] =	wrdreg $0xA8000  }
0xb8: {  	[dreg:$0x6] =	wrdreg $0x9  }
0xb9: {  	_ =	task.clear_ibuf [dreg:s8], $0x7FFFF;
	_ =	strace $0x90000049  }
0xba: {  	s29 =	simm.s32 $0x9;
	_ =	strace $0x8000004B  }
0xbb: {  	_ =	swait.ge [sflag:s29], $0x1  }
0xbc: {  	[sflag:s29] =	ssyncadd.s32 $0xFFFFFFFF  }
0xbd: {  	_ =	strace $0x9000004B  }
0xbe: {  	_ =	sfence  }
0xbf: {  	s30 =	sld [smem:$0x0];
	_ =	sdelay $0x2  }
0xc0: {  	s31 =	sshll.u32 s1, $0xD;
	s1 =	sshrl.u32 s1, $0x2  }
0xc1: {  	s3 =	sand.u32 $0x4000, s31;
	s1 =	sadd.s32 s1, s30  }
0xc2: {  	s0 =	sor.u32 s3, s0;
	s1 =	sshll.u32 s1, $0x11  }
0xc3: {  	s0 =	sor.u32 s1, s0  }
0xc4: {  	s0 =	sadd.s32 $0x8F2B, s0  }
0xc5: {  	[sflag:s0] =	ssyncadd.remote.s32 $0x1  }
0xc6: {  	_ =	sfence.sel $0xFFFF  }
0xc7: {  	[dreg:$0x0] =	wrdreg $0xFFFFFFFF;
	(pc) =	sbr.abs _section_cstart, $3  }
0xc8: {  	[dreg:$0x1] =	wrdreg $0xFFFFFFFF  }
0xc9: {  	_ =	task.clear_ibuf [dreg:s8], $0x2FFFF;
	_ =	strace $0x9FFFFFFF  }
0xca: {  	(tm) =	ssettm $0x7FFFFFFF  }
0xcb: {  	_ =	shalt  }
tec
execute0_lowered:
.L_overlay_start_1:
0x0: {  	(tag) =	ssettag $0x1  }
0x1: {  	s9 =	rddreg [dreg:$0x0]  }
0x2: {  	s10 =	rddreg [dreg:$0x1]  }
0x3: {  	s6 =	rddreg [dreg:$0x2]  }
0x4: {  	s1 =	rddreg [dreg:$0x3];
	s2 =	srdreg.scid  }
0x5: {  	s0 =	rddreg [dreg:$0x4];
	s3 =	simm.s32 $0x0;
	s17 =	simm.s32 $0x2800  }
0x6: {  	s18 =	simm.s32 $0x6800;
	s19 =	simm.s32 $0x1;
	s7 =	sand.u32 $0x1, s2  }
0x7: {  	s20 =	simm.s32 $0x2;
	s2 =	stileid.u32;
	s8 =	smul.u32 $0x140000, s7  }
0x8: {  	s21 =	simm.s32 $0x1380;
	s22 =	simm.s32 $0x2700;
	s11 =	smul.u32 $0x14000, s2  }
0x9: {  	s23 =	simm.s32 $0x2780;
	[smem:$0x7FF] =	sst s3;
	s24 =	smul.u32 $0x50000, s2  }
0xa: {  	s4 =	sadd.s32 $0x4A00, s6;
	s12 =	ssub.s32 $0x2, s7;
	s7 =	smul.u32 $0x28000, s7  }
0xb: {  	s5 =	sadd.s32 $0x2200, s6;
	_ =	strace $0x8000004A;
	s14 =	smul.u32 $0x2800, s2  }
0xc: {  	s26 =	sshll.u32 s2, $0x6;
	s13 =	sshrl.u32 s12, $0x1;
	s8 =	sadd.s32 s11, s8  }
0xd: {  	s11 =	sshrl.u32 s24, $0x2;
	s12 =	ssub.s32 s12, s13;
	s28 =	sadd.s32 s14, s7  }
0xe: {  	s29 =	sadd.s32 $0x1400, s14;
	s30 =	sshrl.u32 s14, $0x3;
	s14 =	simm.s32 $0x3  }
0xf: {  	s24 =	simm.s32 $0x0;
	s8 =	sshrl.u32 s8, $0x3;
	s25 =	sadd.s32 s11, s1  }
0x10: {  	s16 =	sadd.s32 s7, s29;
	s11 =	sshrl.u32 s29, $0x3;
	s12 =	smax.u32 s12, $0x1  }
0x11: {  	s15 =	sadd.s32 s8, s6;
	s6 =	sor.u32 $0x1C03, s26;
	s8 =	sshrl.u32 s28, $0x3  }
0x12: {  	s31 =	sshrl.u32 s16, $0x3;
	s13 =	sshrl.u32 s25, $0x3;
	s16 =	simm.s32 $0x80  }
0x13: {  	s7 =	sadd.s32 s9, s8;
	s8 =	sadd.s32 s10, s30;
	s9 =	sadd.s32 s9, s31  }
0x14: {  	s10 =	sadd.s32 s10, s11;
	s11 =	sadd.s32 $0x54A00, s15;
	s15 =	simm.s32 $0x1400  }
.LBB2_1:
0x15: {  	[spmem:s13], [sflag:s6] =	dma.local [hbm:s5], $0x2800  }
0x16: {  	_ =	swait.ge [sflag:s14], $0x2800  }
0x17: {  	[sflag:s14] =	ssyncset.done $0x0  }
0x18: {  	[sflag:s14] =	ssyncadd.s32 $0xFFFFD800  }
0x19: {  	[bflag:$0x0] =	sbarrier.arrive $0xFFFF  }
0x1a: {  	[tilespmem:s3], [sflag:$0x3] =	stream.linear.gather [hbm4b:s7+s3], $0x1400, $0x38;
	[tilespmem:$0x1E800] =	vst v63  }
0x1b: {  	_ =	swait.ge [sflag:s14], $0x1400  }
0x1c: {  	[sflag:s14] =	ssyncset.done $0x0  }
0x1d: {  	[sflag:s14] =	ssyncadd.s32 $0xFFFFEC00  }
0x1e: {  	[tilespmem:s15], [sflag:$0x3] =	stream.linear.gather [hbm4b:s8+s3], $0x1400, $0x38;
	[tilespmem:$0x1E800] =	vst v63  }
0x1f: {  	_ =	swait.ge [sflag:s14], $0x1400  }
0x20: {  	[sflag:s14] =	ssyncset.done $0x0  }
0x21: {  	[sflag:s14] =	ssyncadd.s32 $0xFFFFEC00  }
0x22: {  	[tilespmem:s17], [sflag:$0x1] =	stream.indirect.gather [hbm4b:s4+s16], $0x80, s3, s16, $0xb8;
	[tilespmem:$0x1E800] =	vst v63  }
0x23: {  	s25 =	simm.s32 $0x80  }
0x24: {  	[tilespmem:s18], [sflag:$0x2] =	stream.indirect.gather [hbm4b:s4+s16], $0x80, s25, s16, $0xb8;
	[tilespmem:$0x1E800] =	vst v63  }
0x25: {  	_ =	swait.ge [sflag:s19], $0x4000  }
0x26: {  	[sflag:s19] =	ssyncset.done $0x0  }
0x27: {  	s29 =	simm.s32 $0x1400;
	[sflag:s19] =	ssyncadd.s32 $0xFFFFC000  }
0x28: {  	[spmem:s1] =	stream.indirect.scatter.add.f32 [tilespmem:s17], [sflag:$0x3], $0x80, s29, s16, $0xb8;
	[tilespmem:$0x1E800] =	vst v63  }
0x29: {  	_ =	swait.ge [sflag:s14], $0x4000  }
0x2a: {  	[sflag:s14] =	ssyncset.done $0x0  }
0x2b: {  	s30 =	simm.s32 $0x100;
	[sflag:s14] =	ssyncadd.s32 $0xFFFFC000  }
0x2c: {  	[tilespmem:s17], [sflag:$0x1] =	stream.indirect.gather [hbm4b:s4+s16], $0x80, s30, s16, $0xb8;
	[tilespmem:$0x1E800] =	vst v63  }
0x2d: {  	_ =	swait.ge [sflag:s20], $0x4000  }
0x2e: {  	[sflag:s20] =	ssyncset.done $0x0  }
0x2f: {  	s31 =	simm.s32 $0x1480;
	[sflag:s20] =	ssyncadd.s32 $0xFFFFC000  }
0x30: {  	[spmem:s1] =	stream.indirect.scatter.add.f32 [tilespmem:s18], [sflag:$0x3], $0x80, s31, s16, $0xb8;
	[tilespmem:$0x1E800] =	vst v63  }
0x31: {  	_ =	swait.ge [sflag:s14], $0x4000  }
0x32: {  	s26 =	simm.s32 $0x800;
	s25 =	simm.s32 $0x100;
	[sflag:s14] =	ssyncset.done $0x0  }
.LBB2_2:
0x33: {  	s28 =	sadd.s32 $0x80, s25  }
0x34: {  	[sflag:s14] =	ssyncadd.s32 $0xFFFFC000;
	s29 =	smov.u32 s26;
	s30 =	sadd.s32 $0x400, s26  }
0x35: {  	[tilespmem:s18], [sflag:$0x2] =	stream.indirect.gather [hbm4b:s4+s16], $0x80, s28, s16, $0xb8;
	[tilespmem:$0x1E800] =	vst v63  }
0x36: {  	p0 =	sne.s32 s26, $0x4800;
	_ =	swait.ge [sflag:s19], $0x4000  }
0x37: {  	[sflag:s19] =	ssyncset.done $0x0  }
0x38: {  	s26 =	sadd.s32 $0x1400, s25;
	[sflag:s19] =	ssyncadd.s32 $0xFFFFC000  }
0x39: {  	[spmem:s1] =	stream.indirect.scatter.add.f32 [tilespmem:s17], [sflag:$0x3], $0x80, s26, s16, $0xb8;
	[tilespmem:$0x1E800] =	vst v63  }
0x3a: {  	_ =	swait.ge [sflag:s14], $0x4000  }
0x3b: {  	[sflag:s14] =	ssyncset.done $0x0  }
0x3c: {  	s26 =	sadd.s32 $0x100, s25;
	[sflag:s14] =	ssyncadd.s32 $0xFFFFC000  }
0x3d: {  	[tilespmem:s17], [sflag:$0x1] =	stream.indirect.gather [hbm4b:s4+s16], $0x80, s26, s16, $0xb8;
	[tilespmem:$0x1E800] =	vst v63  }
0x3e: {  	_ =	swait.ge [sflag:s20], $0x4000  }
.Ltmp0:
0x3f: {  	[sflag:s20] =	ssyncset.done $0x0;
	(pc) =	sbr.rel @p0 .LBB2_2-.Ltmp0, $4  }
0x40: {  	s25 =	sadd.s32 $0x1480, s25;
	[sflag:s20] =	ssyncadd.s32 $0xFFFFC000  }
0x41: {  	[spmem:s1] =	stream.indirect.scatter.add.f32 [tilespmem:s18], [sflag:$0x3], $0x80, s25, s16, $0xb8;
	[tilespmem:$0x1E800] =	vst v63  }
0x42: {  	_ =	swait.ge [sflag:s14], $0x4000  }
0x43: {  	s26 =	smov.u32 s30;
	s25 =	sshra.s32 s29, $0x2;
	[sflag:s14] =	ssyncset.done $0x0  }
0x44: {  	s26 =	sadd.s32 $0x80, s25;
	[sflag:s14] =	ssyncadd.s32 $0xFFFFC000  }
0x45: {  	[tilespmem:s18], [sflag:$0x2] =	stream.indirect.gather [hbm4b:s4+s16], $0x80, s26, s16, $0xb8;
	[tilespmem:$0x1E800] =	vst v63  }
0x46: {  	_ =	swait.ge [sflag:s19], $0x4000  }
0x47: {  	[sflag:s19] =	ssyncset.done $0x0  }
0x48: {  	s29 =	sadd.s32 $0x1400, s25;
	[sflag:s19] =	ssyncadd.s32 $0xFFFFC000  }
0x49: {  	[spmem:s1] =	stream.indirect.scatter.add.f32 [tilespmem:s17], [sflag:$0x3], $0x80, s29, s16, $0xb8;
	[tilespmem:$0x1E800] =	vst v63  }
0x4a: {  	_ =	swait.ge [sflag:s14], $0x4000  }
0x4b: {  	[sflag:s14] =	ssyncset.done $0x0  }
0x4c: {  	s30 =	sadd.s32 $0x100, s25;
	[sflag:s14] =	ssyncadd.s32 $0xFFFFC000  }
0x4d: {  	[tilespmem:s17], [sflag:$0x1] =	stream.indirect.gather [hbm4b:s4+s16], $0x80, s30, s16, $0xb8;
	[tilespmem:$0x1E800] =	vst v63  }
0x4e: {  	_ =	swait.ge [sflag:s20], $0x4000  }
0x4f: {  	[sflag:s20] =	ssyncset.done $0x0  }
0x50: {  	s31 =	sadd.s32 $0x1480, s25;
	[sflag:s20] =	ssyncadd.s32 $0xFFFFC000  }
0x51: {  	[spmem:s1] =	stream.indirect.scatter.add.f32 [tilespmem:s18], [sflag:$0x3], $0x80, s31, s16, $0xb8;
	[tilespmem:$0x1E800] =	vst v63  }
0x52: {  	_ =	swait.ge [sflag:s14], $0x4000  }
0x53: {  	[sflag:s14] =	ssyncset.done $0x0  }
0x54: {  	[sflag:s14] =	ssyncadd.s32 $0xFFFFC000  }
0x55: {  	[tilespmem:s18], [sflag:$0x2] =	stream.indirect.gather [hbm4b:s4+s16], $0x80, s21, s16, $0xb8;
	[tilespmem:$0x1E800] =	vst v63  }
0x56: {  	_ =	swait.ge [sflag:s19], $0x4000  }
0x57: {  	[sflag:s19] =	ssyncset.done $0x0  }
0x58: {  	[sflag:s19] =	ssyncadd.s32 $0xFFFFC000  }
0x59: {  	[spmem:s1] =	stream.indirect.scatter.add.f32 [tilespmem:s17], [sflag:$0x3], $0x80, s22, s16, $0xb8;
	[tilespmem:$0x1E800] =	vst v63  }
0x5a: {  	_ =	swait.ge [sflag:s14], $0x4000  }
0x5b: {  	[sflag:s14] =	ssyncset.done $0x0  }
0x5c: {  	[sflag:s14] =	ssyncadd.s32 $0xFFFFC000  }
0x5d: {  	_ =	swait.ge [sflag:s20], $0x4000  }
0x5e: {  	[sflag:s20] =	ssyncset.done $0x0  }
0x5f: {  	[sflag:s20] =	ssyncadd.s32 $0xFFFFC000  }
0x60: {  	[spmem:s1] =	stream.indirect.scatter.add.f32 [tilespmem:s18], [sflag:$0x3], $0x80, s23, s16, $0xb8;
	[tilespmem:$0x1E800] =	vst v63  }
0x61: {  	_ =	swait.ge [sflag:s14], $0x4000  }
0x62: {  	[sflag:s14] =	ssyncset.done $0x0  }
0x63: {  	s26 =	simm.s32 $0x0;
	[sflag:s14] =	ssyncadd.s32 $0xFFFFC000  }
0x64: {  	[tilespmem:s26], [sflag:$0x3] =	stream.linear.gather [hbm4b:s9+s26], $0x1400, $0x38;
	[tilespmem:$0x1E800] =	vst v63  }
0x65: {  	_ =	swait.ge [sflag:s14], $0x1400  }
0x66: {  	[sflag:s14] =	ssyncset.done $0x0  }
0x67: {  	[sflag:s14] =	ssyncadd.s32 $0xFFFFEC00  }
0x68: {  	[tilespmem:s15], [sflag:$0x3] =	stream.linear.gather [hbm4b:s10+s26], $0x1400, $0x38;
	[tilespmem:$0x1E800] =	vst v63  }
0x69: {  	_ =	swait.ge [sflag:s14], $0x1400  }
0x6a: {  	[sflag:s14] =	ssyncset.done $0x0  }
0x6b: {  	[sflag:s14] =	ssyncadd.s32 $0xFFFFEC00  }
0x6c: {  	[tilespmem:s17], [sflag:$0x1] =	stream.indirect.gather [hbm4b:s4+s16], $0x80, s26, s16, $0xb8;
	[tilespmem:$0x1E800] =	vst v63  }
0x6d: {  	s28 =	simm.s32 $0x80  }
0x6e: {  	[tilespmem:s18], [sflag:$0x2] =	stream.indirect.gather [hbm4b:s4+s16], $0x80, s28, s16, $0xb8;
	[tilespmem:$0x1E800] =	vst v63  }
0x6f: {  	_ =	swait.ge [sflag:s19], $0x4000  }
0x70: {  	[sflag:s19] =	ssyncset.done $0x0  }
0x71: {  	s29 =	simm.s32 $0x1400;
	[sflag:s19] =	ssyncadd.s32 $0xFFFFC000  }
0x72: {  	[spmem:s1] =	stream.indirect.scatter.add.f32 [tilespmem:s17], [sflag:$0x3], $0x80, s29, s16, $0xb8;
	[tilespmem:$0x1E800] =	vst v63  }
0x73: {  	_ =	swait.ge [sflag:s14], $0x4000  }
0x74: {  	[sflag:s14] =	ssyncset.done $0x0  }
0x75: {  	s30 =	simm.s32 $0x100;
	[sflag:s14] =	ssyncadd.s32 $0xFFFFC000  }
0x76: {  	[tilespmem:s17], [sflag:$0x1] =	stream.indirect.gather [hbm4b:s4+s16], $0x80, s30, s16, $0xb8;
	[tilespmem:$0x1E800] =	vst v63  }
0x77: {  	_ =	swait.ge [sflag:s20], $0x4000  }
0x78: {  	[sflag:s20] =	ssyncset.done $0x0  }
0x79: {  	s31 =	simm.s32 $0x1480;
	[sflag:s20] =	ssyncadd.s32 $0xFFFFC000  }
0x7a: {  	[spmem:s1] =	stream.indirect.scatter.add.f32 [tilespmem:s18], [sflag:$0x3], $0x80, s31, s16, $0xb8;
	[tilespmem:$0x1E800] =	vst v63  }
0x7b: {  	_ =	swait.ge [sflag:s14], $0x4000  }
0x7c: {  	s25 =	simm.s32 $0x100;
	s26 =	simm.s32 $0x800;
	[sflag:s14] =	ssyncset.done $0x0  }
.LBB2_4:
0x7d: {  	s28 =	sadd.s32 $0x80, s25  }
0x7e: {  	[sflag:s14] =	ssyncadd.s32 $0xFFFFC000;
	s29 =	smov.u32 s26;
	s30 =	sadd.s32 $0x400, s26  }
0x7f: {  	[tilespmem:s18], [sflag:$0x2] =	stream.indirect.gather [hbm4b:s4+s16], $0x80, s28, s16, $0xb8;
	[tilespmem:$0x1E800] =	vst v63  }
0x80: {  	p0 =	sne.s32 s26, $0x4800;
	_ =	swait.ge [sflag:s19], $0x4000  }
0x81: {  	[sflag:s19] =	ssyncset.done $0x0  }
0x82: {  	s26 =	sadd.s32 $0x1400, s25;
	[sflag:s19] =	ssyncadd.s32 $0xFFFFC000  }
0x83: {  	[spmem:s1] =	stream.indirect.scatter.add.f32 [tilespmem:s17], [sflag:$0x3], $0x80, s26, s16, $0xb8;
	[tilespmem:$0x1E800] =	vst v63  }
0x84: {  	_ =	swait.ge [sflag:s14], $0x4000  }
0x85: {  	[sflag:s14] =	ssyncset.done $0x0  }
0x86: {  	s26 =	sadd.s32 $0x100, s25;
	[sflag:s14] =	ssyncadd.s32 $0xFFFFC000  }
0x87: {  	[tilespmem:s17], [sflag:$0x1] =	stream.indirect.gather [hbm4b:s4+s16], $0x80, s26, s16, $0xb8;
	[tilespmem:$0x1E800] =	vst v63  }
0x88: {  	_ =	swait.ge [sflag:s20], $0x4000  }
.Ltmp1:
0x89: {  	[sflag:s20] =	ssyncset.done $0x0;
	(pc) =	sbr.rel @p0 .LBB2_4-.Ltmp1, $4  }
0x8a: {  	s25 =	sadd.s32 $0x1480, s25;
	[sflag:s20] =	ssyncadd.s32 $0xFFFFC000  }
0x8b: {  	[spmem:s1] =	stream.indirect.scatter.add.f32 [tilespmem:s18], [sflag:$0x3], $0x80, s25, s16, $0xb8;
	[tilespmem:$0x1E800] =	vst v63  }
0x8c: {  	_ =	swait.ge [sflag:s14], $0x4000  }
0x8d: {  	s26 =	smov.u32 s30;
	s25 =	sshra.s32 s29, $0x2;
	[sflag:s14] =	ssyncset.done $0x0  }
0x8e: {  	s26 =	sadd.s32 $0x80, s25;
	[sflag:s14] =	ssyncadd.s32 $0xFFFFC000  }
0x8f: {  	[tilespmem:s18], [sflag:$0x2] =	stream.indirect.gather [hbm4b:s4+s16], $0x80, s26, s16, $0xb8;
	[tilespmem:$0x1E800] =	vst v63  }
0x90: {  	_ =	swait.ge [sflag:s19], $0x4000  }
0x91: {  	[sflag:s19] =	ssyncset.done $0x0  }
0x92: {  	s29 =	sadd.s32 $0x1400, s25;
	[sflag:s19] =	ssyncadd.s32 $0xFFFFC000  }
0x93: {  	[spmem:s1] =	stream.indirect.scatter.add.f32 [tilespmem:s17], [sflag:$0x3], $0x80, s29, s16, $0xb8;
	[tilespmem:$0x1E800] =	vst v63  }
0x94: {  	_ =	swait.ge [sflag:s14], $0x4000  }
0x95: {  	[sflag:s14] =	ssyncset.done $0x0  }
0x96: {  	s30 =	sadd.s32 $0x100, s25;
	[sflag:s14] =	ssyncadd.s32 $0xFFFFC000  }
0x97: {  	[tilespmem:s17], [sflag:$0x1] =	stream.indirect.gather [hbm4b:s4+s16], $0x80, s30, s16, $0xb8;
	[tilespmem:$0x1E800] =	vst v63  }
0x98: {  	_ =	swait.ge [sflag:s20], $0x4000  }
0x99: {  	[sflag:s20] =	ssyncset.done $0x0  }
0x9a: {  	s31 =	sadd.s32 $0x1480, s25;
	[sflag:s20] =	ssyncadd.s32 $0xFFFFC000  }
0x9b: {  	[spmem:s1] =	stream.indirect.scatter.add.f32 [tilespmem:s18], [sflag:$0x3], $0x80, s31, s16, $0xb8;
	[tilespmem:$0x1E800] =	vst v63  }
0x9c: {  	_ =	swait.ge [sflag:s14], $0x4000  }
0x9d: {  	[sflag:s14] =	ssyncset.done $0x0  }
0x9e: {  	[sflag:s14] =	ssyncadd.s32 $0xFFFFC000  }
0x9f: {  	[tilespmem:s18], [sflag:$0x2] =	stream.indirect.gather [hbm4b:s4+s16], $0x80, s21, s16, $0xb8;
	[tilespmem:$0x1E800] =	vst v63  }
0xa0: {  	_ =	swait.ge [sflag:s19], $0x4000  }
0xa1: {  	[sflag:s19] =	ssyncset.done $0x0  }
0xa2: {  	[sflag:s19] =	ssyncadd.s32 $0xFFFFC000  }
0xa3: {  	[spmem:s1] =	stream.indirect.scatter.add.f32 [tilespmem:s17], [sflag:$0x3], $0x80, s22, s16, $0xb8;
	[tilespmem:$0x1E800] =	vst v63  }
0xa4: {  	_ =	swait.ge [sflag:s14], $0x4000  }
0xa5: {  	[sflag:s14] =	ssyncset.done $0x0  }
0xa6: {  	[sflag:s14] =	ssyncadd.s32 $0xFFFFC000  }
0xa7: {  	_ =	swait.ge [sflag:s20], $0x4000  }
0xa8: {  	[sflag:s20] =	ssyncset.done $0x0  }
0xa9: {  	[sflag:s20] =	ssyncadd.s32 $0xFFFFC000  }
0xaa: {  	[spmem:s1] =	stream.indirect.scatter.add.f32 [tilespmem:s18], [sflag:$0x3], $0x80, s23, s16, $0xb8;
	[tilespmem:$0x1E800] =	vst v63  }
0xab: {  	_ =	swait.ge [sflag:s14], $0x4000  }
0xac: {  	s24 =	sadd.s32 $0x1, s24;
	[sflag:s14] =	ssyncset.done $0x0  }
0xad: {  	p0 =	sne.s32 s24, s12;
	[sflag:s14] =	ssyncadd.s32 $0xFFFFC000  }
.Ltmp2:
0xae: {  	[bflag:$0x0] =	sbarrier.arrive $0xFFFF;
	(pc) =	sbr.rel @p0 .LBB2_1-.Ltmp2, $4  }
0xaf: {  	[hbm:s11], [sflag:s6] =	dma.local [spmem:s13], $0x2800  }
0xb0: {  	_ =	swait.ge [sflag:s14], $0x2800  }
0xb1: {  	[sflag:s14] =	ssyncset.done $0x0  }
0xb2: {  	[sflag:s14] =	ssyncadd.s32 $0xFFFFD800  }
0xb3: {  	_ =	sfence.sel $0x180000  }
0xb4: {  	[bflag:$0x0] =	sbarrier.arrive $0xFFFF  }
0xb5: {  	p0 =	sne.s32 s2, $0x0;
	_ =	strace $0x9000004A  }
0xb6: {  	s0 =	sadd.s32 @!p0 $0x100000, s0;
	[bflag:$0x2] =	sbarrier.arrive $0xFFFF  }
0xb7: {  	[sflag:s0] =	ssyncadd.tile.s32 @!p0 $0x1;
	_ =	shalt  }
.Lfunc_end2:
_tile_overlayer_lowered:
.L_overlay_start_2:
0xb8: {  	(tag) =	ssettag $0x2  }
0xb9: {  	s0 =	rddreg [dreg:$0x0];
	s2 =	stileid.u32  }
0xba: {  	s1 =	rddreg [dreg:$0x1];
	p0 =	sne.s32 s2, $0x0  }
0xbb: {  	s3 =	rddreg [dreg:$0x2];
	[bflag:$0x3] =	sbarrier.arrive $0xFFFF;
	s2 =	simm.s32 @!p0 $0x1C03  }
0xbc: {  	[timem:s3], [sflag:s2] =	dma.local @!p0 [hbm:s0], s1  }
0xbd: {  	s0 =	simm.s32 @!p0 $0x3  }
0xbe: {  	_ =	swait.ge @!p0 [sflag:s0], s1  }
0xbf: {  	s1 =	ssub.s32 @!p0 $0x0, s1;
	[sflag:s0] =	ssyncset.done @!p0 $0x0  }
0xc0: {  	[sflag:s0] =	ssyncadd.s32 @!p0 s1  }
0xc1: {  	[bflag:$0x3] =	sbarrier.arrive $0xFFFF  }
0xc2: {  	_ =	shalt  }

// kernel: kernel.14.cloned.1.call-start
scs
__scs_entry_jumppad:
0x0: {  	(pc) =	sbr.rel $0x88, $3  }
0x1: {  	(tag) =	ssettag $0x0;
	lr =	simm.s32 $0x1  }
0x2: {  	[smem:$0x3F9B] =	sst lr;
	_ =	strace $0xD0000000  }
0x3: {  	_ = 	snop  }
0x4: {  	_ = 	snop  }
0x5: {  	_ = 	snop  }
0x6: {  	_ = 	snop  }
0x7: {  	_ = 	snop  }
__scs_overlays_trampoline_lowered:
0x8: {  	[smem:$0x3FAA] =	sst s0  }
0x9: {  	[smem:$0x3FAB] =	sst s1  }
0xa: {  	[smem:$0x3FAC] =	sst s2  }
0xb: {  	[smem:$0x3FAD] =	sst s3  }
0xc: {  	[smem:$0x3FAE] =	sst s4  }
0xd: {  	[smem:$0x3FAF] =	sst s5  }
0xe: {  	[smem:$0x3FB0] =	sst s6  }
0xf: {  	[smem:$0x3FB1] =	sst s7  }
0x10: {  	[smem:$0x3FB2] =	sst s8  }
0x11: {  	[smem:$0x3FB3] =	sst s9;
	s0 =	simm.s32 @!p0 $0x0  }
0x12: {  	s1 =	sld [smem:$0x3F99];
	s0 =	simm.s32 @p0 $0x1  }
0x13: {  	[smem:$0x3FB4] =	sst s0;
	s0 =	simm.s32 @!p1 $0x0  }
0x14: {  	s2 =	sld [smem:$0x3F98];
	s0 =	simm.s32 @p1 $0x1  }
0x15: {  	[smem:$0x3FB5] =	sst s0;
	s0 =	simm.s32 @!p2 $0x0  }
0x16: {  	s3 =	sld [smem:$0x3FDB];
	s0 =	simm.s32 @p2 $0x1  }
0x17: {  	s4 =	simm.s32 $0x1BF5;
	[smem:$0x3FB7] =	sst s0  }
0x18: {  	s0 =	sld [smem:$0x3F9A];
	_ =	swait.ge [sflag:s4], $0x0  }
0x19: {  	s7 =	sld [smem:$0x3F9B]  }
0x1a: {  	s8 =	sadd.s32 $0xFFFFE003, lr  }
0x1b: {  	s9 =	sadd.s32 $0xFFFFFEF7, lr;
	s5 =	simm.s32 $0xFFFFFFFF;
	p2 =	slt.u32 s8, $0xFFFFF086  }
0x1c: {  	p1 =	slt.u32 s9, $0xF7A;
	s5 =	simm.s32 @!p2 $0x0  }
0x1d: {  	s5 =	simm.s32 @p1 $0x1;
	p0 =	seq.s32 s7, s2  }
0x1e: {  	s7 =	smul.u32 @!p0 $0xF7A, s2;
	p2 =	seq.s32 @!p0 s5, $0x0  }
0x1f: {  	s9 =	smul.u32 $0xF7A, s1;
	s8 =	simm.s32 @!p0 $0x1BF5;
	p2 =	por !p2, p0  }
0x20: {  	[sflag:s8] =	ssyncset.s32 @!p0 $0xFFFFF086;
	s6 =	sadd.s32 @!p0 s3, s7;
	s7 =	simm.s32 @!p0 $0x108  }
0x21: {  	s3 =	sadd.s32 s3, s9;
	s6 =	sadd.s32 @!p0 $0x88, s6;
	s7 =	simm.s32 @p2 $0x1082  }
0x22: {  	[simem:s7], [sflag:s8] =	dma.local @!p0 [hbm:s6], $0xF7A  }
0x23: {  	s9 =	sor.u32 $0xD0000000, s2;
	s6 =	simm.s32 $0x108;
	_ =	swait.ge @!p0 [sflag:s8], $0x0  }
0x24: {  	s3 =	sadd.s32 $0x88, s3;
	s6 =	simm.s32 @!p1 $0x1082;
	[sflag:s4] =	ssyncset.s32 $0xFFFFF086  }
0x25: {  	[simem:s6], [sflag:s4] =	dma.local [hbm:s3], $0xF7A  }
0x26: {  	[smem:$0x3F9B] =	sst s1;
	(tag) =	ssettag s2;
	_ =	strace s9  }
0x27: {  	s1 =	sld [smem:$0x3FAB]  }
0x28: {  	s2 =	sld [smem:$0x3FAC]  }
0x29: {  	s4 =	sld [smem:$0x3FAE]  }
0x2a: {  	p0 =	seq.s32 s5, $0x0;
	s5 =	sld [smem:$0x3FAF]  }
0x2b: {  	s6 =	sld [smem:$0x3FB0]  }
0x2c: {  	s7 =	sld [smem:$0x3FB1]  }
0x2d: {  	s3 =	simm.s32 $0x108;
	s8 =	sld [smem:$0x3FB2]  }
0x2e: {  	s3 =	simm.s32 @!p0 $0x1082;
	s9 =	sld [smem:$0x3FB3]  }
0x2f: {  	lr =	sadd.s32 s0, s3;
	s0 =	sld [smem:$0x3FAA]  }
0x30: {  	s3 =	sld [smem:$0x3FAD]  }
0x31: {  	[smem:$0x3FB6] =	sst s10  }
0x32: {  	s10 =	sld [smem:$0x3FB4];
	_ =	sdelay $0x3  }
0x33: {  	p0 =	seq.s32 s10, $0x1;
	s10 =	sld [smem:$0x3FB6];
	_ =	sdelay $0x3  }
0x34: {  	[smem:$0x3FB6] =	sst s10  }
0x35: {  	s10 =	sld [smem:$0x3FB5];
	_ =	sdelay $0x3  }
0x36: {  	p1 =	seq.s32 s10, $0x1;
	s10 =	sld [smem:$0x3FB6];
	_ =	sdelay $0x3  }
0x37: {  	[smem:$0x3FB6] =	sst s10  }
0x38: {  	s10 =	sld [smem:$0x3FB7]  }
0x39: {  	_ = 	snop;
	(pc) =	sbr.ind lr, $3  }
0x3a: {  	_ = 	snop  }
0x3b: {  	_ = 	snop  }
0x3c: {  	p2 =	seq.s32 s10, $0x1;
	s10 =	sld [smem:$0x3FB6]  }
0x3d: {  	_ =	shalt  }
0x3e: {  	_ =	shalt  }
0x3f: {  	_ =	shalt  }
0x40: {  	_ =	shalt  }
0x41: {  	_ =	shalt  }
0x42: {  	_ =	shalt  }
0x43: {  	_ =	shalt  }
0x44: {  	_ =	shalt  }
0x45: {  	_ =	shalt  }
0x46: {  	_ =	shalt  }
0x47: {  	_ =	shalt  }
0x48: {  	_ =	shalt  }
0x49: {  	_ =	shalt  }
0x4a: {  	_ =	shalt  }
0x4b: {  	_ =	shalt  }
0x4c: {  	_ =	shalt  }
0x4d: {  	_ =	shalt  }
0x4e: {  	_ =	shalt  }
0x4f: {  	_ =	shalt  }
0x50: {  	_ =	shalt  }
0x51: {  	_ =	shalt  }
0x52: {  	_ =	shalt  }
0x53: {  	_ =	shalt  }
0x54: {  	_ =	shalt  }
0x55: {  	_ =	shalt  }
0x56: {  	_ =	shalt  }
0x57: {  	_ =	shalt  }
0x58: {  	_ =	shalt  }
0x59: {  	_ =	shalt  }
0x5a: {  	_ =	shalt  }
0x5b: {  	_ =	shalt  }
0x5c: {  	_ =	shalt  }
0x5d: {  	_ =	shalt  }
0x5e: {  	_ =	shalt  }
0x5f: {  	_ =	shalt  }
0x60: {  	_ =	shalt  }
0x61: {  	_ =	shalt  }
0x62: {  	_ =	shalt  }
0x63: {  	_ =	shalt  }
0x64: {  	_ =	shalt  }
0x65: {  	_ =	shalt  }
0x66: {  	_ =	shalt  }
0x67: {  	_ =	shalt  }
0x68: {  	_ =	shalt  }
0x69: {  	_ =	shalt  }
0x6a: {  	_ =	shalt  }
0x6b: {  	_ =	shalt  }
0x6c: {  	_ =	shalt  }
0x6d: {  	_ =	shalt  }
0x6e: {  	_ =	shalt  }
0x6f: {  	_ =	shalt  }
0x70: {  	_ =	shalt  }
0x71: {  	_ =	shalt  }
0x72: {  	_ =	shalt  }
0x73: {  	_ =	shalt  }
0x74: {  	_ =	shalt  }
0x75: {  	_ =	shalt  }
0x76: {  	_ =	shalt  }
0x77: {  	_ =	shalt  }
0x78: {  	_ =	shalt  }
0x79: {  	_ =	shalt  }
0x7a: {  	_ =	shalt  }
0x7b: {  	_ =	shalt  }
0x7c: {  	_ =	shalt  }
0x7d: {  	_ =	shalt  }
0x7e: {  	_ =	shalt  }
0x7f: {  	_ =	shalt  }
0x80: {  	_ =	shalt  }
0x81: {  	_ =	shalt  }
0x82: {  	_ =	shalt  }
0x83: {  	_ =	shalt  }
0x84: {  	_ =	shalt  }
0x85: {  	_ =	shalt  }
0x86: {  	_ =	shalt  }
0x87: {  	_ =	shalt  }
.Lfunc_end0:
.L_simem_size_0:
called_computation.2_lowered:
.L_overlay_start_0:
0x88: {  	s2 =	sld [smem:$0x3FD9]  }
0x89: {  	s3 =	sld [smem:$0x3FFE];
	_ =	sdelay $0x1  }
0x8a: {  	s1 =	srdreg.scid  }
0x8b: {  	s0 =	sand.u32 $0x1, s1  }
0x8c: {  	s14 =	sshll.u32 s0, $0xA;
	s2 =	sadd.s32 s3, s2  }
0x8d: {  	s2 =	sadd.s32 s2, s14  }
0x8e: {  	[smem:$0x3FC2] =	sst s2  }
0x8f: {  	_ = 	snop  }
0x90: {  	s2 =	sld [smem:$0x3FD0];
	_ =	sdelay $0x2  }
0x91: {  	s15 =	simm.s32 $0xA;
	s4 =	simm.s32 $0x10  }
0x92: {  	[smem:s4], [sflag:s15] =	dma.local [hbm:s2], $0x1  }
0x93: {  	_ =	swait.eq [sflag:s15], $0x1  }
0x94: {  	[sflag:s15] =	ssyncset.done $0x0  }
0x95: {  	s16 =	sld [smem:$0x10];
	[sflag:s15] =	ssyncadd.s32 $0xFFFFFFFF  }
0x96: {  	s17 =	sld [smem:$0x12];
	(tm) =	ssettm $0x1  }
0x97: {  	s18 =	sld [smem:$0x3FFB];
	_ =	sdelay $0x3  }
0x98: {  	_ =	strace s18  }
0x99: {  	s4 =	sld [smem:$0x3FFC];
	_ =	sdelay $0x3  }
0x9a: {  	_ =	strace s4  }
0x9b: {  	s4 =	sld [smem:$0x3FFD];
	_ =	sdelay $0x3  }
0x9c: {  	_ =	strace s4  }
0x9d: {  	_ =	strace $0x8FFFFFFF  }
0x9e: {  	s19 =	sld [smem:$0x3FDB];
	_ =	sdelay $0x1  }
0x9f: {  	s5 =	simm.s32 $_scs_section_size  }
0xa0: {  	s6 =	simm.s32 $_size__tile_overlayer_lowered;
	s7 =	simm.s32 $_tile_overlayer_lowered  }
0xa1: {  	s22 =	simm.s32 $0x1BFF;
	s21 =	sshll.u32 s7, $0x1;
	s4 =	sadd.s32 s5, s19  }
0xa2: {  	s8 =	simm.s32 $0x0;
	s20 =	sshll.u32 s6, $0x1;
	s6 =	sadd.s32 s21, s4  }
0xa3: {  	[timem:s8], [sflag:s22] =	dma.local [hbm:s6], s20  }
0xa4: {  	_ =	swait.ge [sflag:s22], s20  }
0xa5: {  	s5 =	ssub.s32 $0x0, s20;
	[sflag:s22] =	ssyncset.done $0x0  }
0xa6: {  	[sflag:s22] =	ssyncadd.s32 s5;
	_ =	sdelay $0x1  }
0xa7: {  	s23 =	simm.s32 $0x1B8B  }
0xa8: {  	_ =	swait.ge [sflag:s23], $0x1  }
0xa9: {  	[sflag:s23] =	ssyncset.done $0x0  }
0xaa: {  	s25 =	simm.s32 $0x1B8E;
	s24 =	sld [smem:$0x3FFE];
	[sflag:s23] =	ssyncadd.s32 $0xFFFFFFFF  }
0xab: {  	s26 =	simm.s32 $execute0_lowered;
	[smem:$0x3FD2] =	sst s25  }
0xac: {  	s6 =	sshll.u32 s26, $0x1;
	_ =	strace $0x8000004C;
	[dreg:$0x1] =	wrdreg $0xFFFFFFFF  }
0xad: {  	s28 =	simm.s32 $_size_execute0_lowered;
	s4 =	sadd.s32 s4, s6;
	[dreg:$0x0] =	wrdreg $0x0  }
0xae: {  	s6 =	sshll.u32 s28, $0x1;
	[dreg:$0x2] =	wrdreg s4  }
0xaf: {  	[dreg:$0x3] =	wrdreg s6  }
0xb0: {  	[dreg:$0x4] =	wrdreg $0xC0  }
0xb1: {  	_ =	task [dreg:s8], $0x5FFFF  }
0xb2: {  	[dreg:$0x1] =	wrdreg $0xFFFFFFFF  }
0xb3: {  	[dreg:$0x0] =	wrdreg $0x60  }
0xb4: {  	[dreg:$0x2] =	wrdreg s17  }
0xb5: {  	[dreg:$0x3] =	wrdreg s16  }
0xb6: {  	[dreg:$0x4] =	wrdreg s24  }
0xb7: {  	[dreg:$0x5] =	wrdreg $0xA8000  }
0xb8: {  	[dreg:$0x6] =	wrdreg $0x9  }
0xb9: {  	_ =	task.clear_ibuf [dreg:s8], $0x7FFFF;
	_ =	strace $0x9000004C  }
0xba: {  	s29 =	simm.s32 $0x9;
	_ =	strace $0x8000004E  }
0xbb: {  	_ =	swait.ge [sflag:s29], $0x1  }
0xbc: {  	[sflag:s29] =	ssyncadd.s32 $0xFFFFFFFF  }
0xbd: {  	_ =	strace $0x9000004E  }
0xbe: {  	_ =	sfence  }
0xbf: {  	s30 =	sld [smem:$0x0];
	_ =	sdelay $0x2  }
0xc0: {  	s31 =	sshll.u32 s1, $0xD;
	s1 =	sshrl.u32 s1, $0x2  }
0xc1: {  	s3 =	sand.u32 $0x4000, s31;
	s1 =	sadd.s32 s1, s30  }
0xc2: {  	s0 =	sor.u32 s3, s0;
	s1 =	sshll.u32 s1, $0x11  }
0xc3: {  	s0 =	sor.u32 s1, s0  }
0xc4: {  	s0 =	sadd.s32 $0x8F2B, s0  }
0xc5: {  	[sflag:s0] =	ssyncadd.remote.s32 $0x1  }
0xc6: {  	_ =	sfence.sel $0xFFFF  }
0xc7: {  	[dreg:$0x0] =	wrdreg $0xFFFFFFFF;
	(pc) =	sbr.abs _section_cstart, $3  }
0xc8: {  	[dreg:$0x1] =	wrdreg $0xFFFFFFFF  }
0xc9: {  	_ =	task.clear_ibuf [dreg:s8], $0x2FFFF;
	_ =	strace $0x9FFFFFFF  }
0xca: {  	(tm) =	ssettm $0x7FFFFFFF  }
0xcb: {  	_ =	shalt  }
tec
execute0_lowered:
.L_overlay_start_1:
0x0: {  	(tag) =	ssettag $0x1  }
0x1: {  	s9 =	rddreg [dreg:$0x0]  }
0x2: {  	s10 =	rddreg [dreg:$0x1]  }
0x3: {  	s6 =	rddreg [dreg:$0x2]  }
0x4: {  	s1 =	rddreg [dreg:$0x3];
	s2 =	srdreg.scid  }
0x5: {  	s0 =	rddreg [dreg:$0x4];
	s3 =	simm.s32 $0x0;
	s17 =	simm.s32 $0x2800  }
0x6: {  	s18 =	simm.s32 $0x6800;
	s19 =	simm.s32 $0x1;
	s7 =	sand.u32 $0x1, s2  }
0x7: {  	s20 =	simm.s32 $0x2;
	s2 =	stileid.u32;
	s8 =	smul.u32 $0x140000, s7  }
0x8: {  	s21 =	simm.s32 $0x1380;
	s22 =	simm.s32 $0x2700;
	s11 =	smul.u32 $0x14000, s2  }
0x9: {  	s23 =	simm.s32 $0x2780;
	[smem:$0x7FF] =	sst s3;
	s24 =	smul.u32 $0x50000, s2  }
0xa: {  	s4 =	sadd.s32 $0x4A00, s6;
	s12 =	ssub.s32 $0x2, s7;
	s7 =	smul.u32 $0x28000, s7  }
0xb: {  	s5 =	sadd.s32 $0x2200, s6;
	_ =	strace $0x8000004D;
	s14 =	smul.u32 $0x2800, s2  }
0xc: {  	s26 =	sshll.u32 s2, $0x6;
	s13 =	sshrl.u32 s12, $0x1;
	s8 =	sadd.s32 s11, s8  }
0xd: {  	s11 =	sshrl.u32 s24, $0x2;
	s12 =	ssub.s32 s12, s13;
	s28 =	sadd.s32 s14, s7  }
0xe: {  	s29 =	sadd.s32 $0x1400, s14;
	s30 =	sshrl.u32 s14, $0x3;
	s14 =	simm.s32 $0x3  }
0xf: {  	s24 =	simm.s32 $0x0;
	s8 =	sshrl.u32 s8, $0x3;
	s25 =	sadd.s32 s11, s1  }
0x10: {  	s16 =	sadd.s32 s7, s29;
	s11 =	sshrl.u32 s29, $0x3;
	s12 =	smax.u32 s12, $0x1  }
0x11: {  	s15 =	sadd.s32 s8, s6;
	s6 =	sor.u32 $0x1C03, s26;
	s8 =	sshrl.u32 s28, $0x3  }
0x12: {  	s31 =	sshrl.u32 s16, $0x3;
	s13 =	sshrl.u32 s25, $0x3;
	s16 =	simm.s32 $0x80  }
0x13: {  	s7 =	sadd.s32 s9, s8;
	s8 =	sadd.s32 s10, s30;
	s9 =	sadd.s32 s9, s31  }
0x14: {  	s10 =	sadd.s32 s10, s11;
	s11 =	sadd.s32 $0x54A00, s15;
	s15 =	simm.s32 $0x1400  }
.LBB2_1:
0x15: {  	[spmem:s13], [sflag:s6] =	dma.local [hbm:s5], $0x2800  }
0x16: {  	_ =	swait.ge [sflag:s14], $0x2800  }
0x17: {  	[sflag:s14] =	ssyncset.done $0x0  }
0x18: {  	[sflag:s14] =	ssyncadd.s32 $0xFFFFD800  }
0x19: {  	[bflag:$0x0] =	sbarrier.arrive $0xFFFF  }
0x1a: {  	[tilespmem:s3], [sflag:$0x3] =	stream.linear.gather [hbm4b:s7+s3], $0x1400, $0x38;
	[tilespmem:$0x1E800] =	vst v63  }
0x1b: {  	_ =	swait.ge [sflag:s14], $0x1400  }
0x1c: {  	[sflag:s14] =	ssyncset.done $0x0  }
0x1d: {  	[sflag:s14] =	ssyncadd.s32 $0xFFFFEC00  }
0x1e: {  	[tilespmem:s15], [sflag:$0x3] =	stream.linear.gather [hbm4b:s8+s3], $0x1400, $0x38;
	[tilespmem:$0x1E800] =	vst v63  }
0x1f: {  	_ =	swait.ge [sflag:s14], $0x1400  }
0x20: {  	[sflag:s14] =	ssyncset.done $0x0  }
0x21: {  	[sflag:s14] =	ssyncadd.s32 $0xFFFFEC00  }
0x22: {  	[tilespmem:s17], [sflag:$0x1] =	stream.indirect.gather [hbm4b:s4+s16], $0x80, s3, s16, $0xb8;
	[tilespmem:$0x1E800] =	vst v63  }
0x23: {  	s25 =	simm.s32 $0x80  }
0x24: {  	[tilespmem:s18], [sflag:$0x2] =	stream.indirect.gather [hbm4b:s4+s16], $0x80, s25, s16, $0xb8;
	[tilespmem:$0x1E800] =	vst v63  }
0x25: {  	_ =	swait.ge [sflag:s19], $0x4000  }
0x26: {  	[sflag:s19] =	ssyncset.done $0x0  }
0x27: {  	s29 =	simm.s32 $0x1400;
	[sflag:s19] =	ssyncadd.s32 $0xFFFFC000  }
0x28: {  	[spmem:s1] =	stream.indirect.scatter.add.f32 [tilespmem:s17], [sflag:$0x3], $0x80, s29, s16, $0xb8;
	[tilespmem:$0x1E800] =	vst v63  }
0x29: {  	_ =	swait.ge [sflag:s14], $0x4000  }
0x2a: {  	[sflag:s14] =	ssyncset.done $0x0  }
0x2b: {  	s30 =	simm.s32 $0x100;
	[sflag:s14] =	ssyncadd.s32 $0xFFFFC000  }
0x2c: {  	[tilespmem:s17], [sflag:$0x1] =	stream.indirect.gather [hbm4b:s4+s16], $0x80, s30, s16, $0xb8;
	[tilespmem:$0x1E800] =	vst v63  }
0x2d: {  	_ =	swait.ge [sflag:s20], $0x4000  }
0x2e: {  	[sflag:s20] =	ssyncset.done $0x0  }
0x2f: {  	s31 =	simm.s32 $0x1480;
	[sflag:s20] =	ssyncadd.s32 $0xFFFFC000  }
0x30: {  	[spmem:s1] =	stream.indirect.scatter.add.f32 [tilespmem:s18], [sflag:$0x3], $0x80, s31, s16, $0xb8;
	[tilespmem:$0x1E800] =	vst v63  }
0x31: {  	_ =	swait.ge [sflag:s14], $0x4000  }
0x32: {  	s26 =	simm.s32 $0x800;
	s25 =	simm.s32 $0x100;
	[sflag:s14] =	ssyncset.done $0x0  }
.LBB2_2:
0x33: {  	s28 =	sadd.s32 $0x80, s25  }
0x34: {  	[sflag:s14] =	ssyncadd.s32 $0xFFFFC000;
	s29 =	smov.u32 s26;
	s30 =	sadd.s32 $0x400, s26  }
0x35: {  	[tilespmem:s18], [sflag:$0x2] =	stream.indirect.gather [hbm4b:s4+s16], $0x80, s28, s16, $0xb8;
	[tilespmem:$0x1E800] =	vst v63  }
0x36: {  	p0 =	sne.s32 s26, $0x4800;
	_ =	swait.ge [sflag:s19], $0x4000  }
0x37: {  	[sflag:s19] =	ssyncset.done $0x0  }
0x38: {  	s26 =	sadd.s32 $0x1400, s25;
	[sflag:s19] =	ssyncadd.s32 $0xFFFFC000  }
0x39: {  	[spmem:s1] =	stream.indirect.scatter.add.f32 [tilespmem:s17], [sflag:$0x3], $0x80, s26, s16, $0xb8;
	[tilespmem:$0x1E800] =	vst v63  }
0x3a: {  	_ =	swait.ge [sflag:s14], $0x4000  }
0x3b: {  	[sflag:s14] =	ssyncset.done $0x0  }
0x3c: {  	s26 =	sadd.s32 $0x100, s25;
	[sflag:s14] =	ssyncadd.s32 $0xFFFFC000  }
0x3d: {  	[tilespmem:s17], [sflag:$0x1] =	stream.indirect.gather [hbm4b:s4+s16], $0x80, s26, s16, $0xb8;
	[tilespmem:$0x1E800] =	vst v63  }
0x3e: {  	_ =	swait.ge [sflag:s20], $0x4000  }
.Ltmp0:
0x3f: {  	[sflag:s20] =	ssyncset.done $0x0;
	(pc) =	sbr.rel @p0 .LBB2_2-.Ltmp0, $4  }
0x40: {  	s25 =	sadd.s32 $0x1480, s25;
	[sflag:s20] =	ssyncadd.s32 $0xFFFFC000  }
0x41: {  	[spmem:s1] =	stream.indirect.scatter.add.f32 [tilespmem:s18], [sflag:$0x3], $0x80, s25, s16, $0xb8;
	[tilespmem:$0x1E800] =	vst v63  }
0x42: {  	_ =	swait.ge [sflag:s14], $0x4000  }
0x43: {  	s26 =	smov.u32 s30;
	s25 =	sshra.s32 s29, $0x2;
	[sflag:s14] =	ssyncset.done $0x0  }
0x44: {  	s26 =	sadd.s32 $0x80, s25;
	[sflag:s14] =	ssyncadd.s32 $0xFFFFC000  }
0x45: {  	[tilespmem:s18], [sflag:$0x2] =	stream.indirect.gather [hbm4b:s4+s16], $0x80, s26, s16, $0xb8;
	[tilespmem:$0x1E800] =	vst v63  }
0x46: {  	_ =	swait.ge [sflag:s19], $0x4000  }
0x47: {  	[sflag:s19] =	ssyncset.done $0x0  }
0x48: {  	s29 =	sadd.s32 $0x1400, s25;
	[sflag:s19] =	ssyncadd.s32 $0xFFFFC000  }
0x49: {  	[spmem:s1] =	stream.indirect.scatter.add.f32 [tilespmem:s17], [sflag:$0x3], $0x80, s29, s16, $0xb8;
	[tilespmem:$0x1E800] =	vst v63  }
0x4a: {  	_ =	swait.ge [sflag:s14], $0x4000  }
0x4b: {  	[sflag:s14] =	ssyncset.done $0x0  }
0x4c: {  	s30 =	sadd.s32 $0x100, s25;
	[sflag:s14] =	ssyncadd.s32 $0xFFFFC000  }
0x4d: {  	[tilespmem:s17], [sflag:$0x1] =	stream.indirect.gather [hbm4b:s4+s16], $0x80, s30, s16, $0xb8;
	[tilespmem:$0x1E800] =	vst v63  }
0x4e: {  	_ =	swait.ge [sflag:s20], $0x4000  }
0x4f: {  	[sflag:s20] =	ssyncset.done $0x0  }
0x50: {  	s31 =	sadd.s32 $0x1480, s25;
	[sflag:s20] =	ssyncadd.s32 $0xFFFFC000  }
0x51: {  	[spmem:s1] =	stream.indirect.scatter.add.f32 [tilespmem:s18], [sflag:$0x3], $0x80, s31, s16, $0xb8;
	[tilespmem:$0x1E800] =	vst v63  }
0x52: {  	_ =	swait.ge [sflag:s14], $0x4000  }
0x53: {  	[sflag:s14] =	ssyncset.done $0x0  }
0x54: {  	[sflag:s14] =	ssyncadd.s32 $0xFFFFC000  }
0x55: {  	[tilespmem:s18], [sflag:$0x2] =	stream.indirect.gather [hbm4b:s4+s16], $0x80, s21, s16, $0xb8;
	[tilespmem:$0x1E800] =	vst v63  }
0x56: {  	_ =	swait.ge [sflag:s19], $0x4000  }
0x57: {  	[sflag:s19] =	ssyncset.done $0x0  }
0x58: {  	[sflag:s19] =	ssyncadd.s32 $0xFFFFC000  }
0x59: {  	[spmem:s1] =	stream.indirect.scatter.add.f32 [tilespmem:s17], [sflag:$0x3], $0x80, s22, s16, $0xb8;
	[tilespmem:$0x1E800] =	vst v63  }
0x5a: {  	_ =	swait.ge [sflag:s14], $0x4000  }
0x5b: {  	[sflag:s14] =	ssyncset.done $0x0  }
0x5c: {  	[sflag:s14] =	ssyncadd.s32 $0xFFFFC000  }
0x5d: {  	_ =	swait.ge [sflag:s20], $0x4000  }
0x5e: {  	[sflag:s20] =	ssyncset.done $0x0  }
0x5f: {  	[sflag:s20] =	ssyncadd.s32 $0xFFFFC000  }
0x60: {  	[spmem:s1] =	stream.indirect.scatter.add.f32 [tilespmem:s18], [sflag:$0x3], $0x80, s23, s16, $0xb8;
	[tilespmem:$0x1E800] =	vst v63  }
0x61: {  	_ =	swait.ge [sflag:s14], $0x4000  }
0x62: {  	[sflag:s14] =	ssyncset.done $0x0  }
0x63: {  	s26 =	simm.s32 $0x0;
	[sflag:s14] =	ssyncadd.s32 $0xFFFFC000  }
0x64: {  	[tilespmem:s26], [sflag:$0x3] =	stream.linear.gather [hbm4b:s9+s26], $0x1400, $0x38;
	[tilespmem:$0x1E800] =	vst v63  }
0x65: {  	_ =	swait.ge [sflag:s14], $0x1400  }
0x66: {  	[sflag:s14] =	ssyncset.done $0x0  }
0x67: {  	[sflag:s14] =	ssyncadd.s32 $0xFFFFEC00  }
0x68: {  	[tilespmem:s15], [sflag:$0x3] =	stream.linear.gather [hbm4b:s10+s26], $0x1400, $0x38;
	[tilespmem:$0x1E800] =	vst v63  }
0x69: {  	_ =	swait.ge [sflag:s14], $0x1400  }
0x6a: {  	[sflag:s14] =	ssyncset.done $0x0  }
0x6b: {  	[sflag:s14] =	ssyncadd.s32 $0xFFFFEC00  }
0x6c: {  	[tilespmem:s17], [sflag:$0x1] =	stream.indirect.gather [hbm4b:s4+s16], $0x80, s26, s16, $0xb8;
	[tilespmem:$0x1E800] =	vst v63  }
0x6d: {  	s28 =	simm.s32 $0x80  }
0x6e: {  	[tilespmem:s18], [sflag:$0x2] =	stream.indirect.gather [hbm4b:s4+s16], $0x80, s28, s16, $0xb8;
	[tilespmem:$0x1E800] =	vst v63  }
0x6f: {  	_ =	swait.ge [sflag:s19], $0x4000  }
0x70: {  	[sflag:s19] =	ssyncset.done $0x0  }
0x71: {  	s29 =	simm.s32 $0x1400;
	[sflag:s19] =	ssyncadd.s32 $0xFFFFC000  }
0x72: {  	[spmem:s1] =	stream.indirect.scatter.add.f32 [tilespmem:s17], [sflag:$0x3], $0x80, s29, s16, $0xb8;
	[tilespmem:$0x1E800] =	vst v63  }
0x73: {  	_ =	swait.ge [sflag:s14], $0x4000  }
0x74: {  	[sflag:s14] =	ssyncset.done $0x0  }
0x75: {  	s30 =	simm.s32 $0x100;
	[sflag:s14] =	ssyncadd.s32 $0xFFFFC000  }
0x76: {  	[tilespmem:s17], [sflag:$0x1] =	stream.indirect.gather [hbm4b:s4+s16], $0x80, s30, s16, $0xb8;
	[tilespmem:$0x1E800] =	vst v63  }
0x77: {  	_ =	swait.ge [sflag:s20], $0x4000  }
0x78: {  	[sflag:s20] =	ssyncset.done $0x0  }
0x79: {  	s31 =	simm.s32 $0x1480;
	[sflag:s20] =	ssyncadd.s32 $0xFFFFC000  }
0x7a: {  	[spmem:s1] =	stream.indirect.scatter.add.f32 [tilespmem:s18], [sflag:$0x3], $0x80, s31, s16, $0xb8;
	[tilespmem:$0x1E800] =	vst v63  }
0x7b: {  	_ =	swait.ge [sflag:s14], $0x4000  }
0x7c: {  	s25 =	simm.s32 $0x100;
	s26 =	simm.s32 $0x800;
	[sflag:s14] =	ssyncset.done $0x0  }
.LBB2_4:
0x7d: {  	s28 =	sadd.s32 $0x80, s25  }
0x7e: {  	[sflag:s14] =	ssyncadd.s32 $0xFFFFC000;
	s29 =	smov.u32 s26;
	s30 =	sadd.s32 $0x400, s26  }
0x7f: {  	[tilespmem:s18], [sflag:$0x2] =	stream.indirect.gather [hbm4b:s4+s16], $0x80, s28, s16, $0xb8;
	[tilespmem:$0x1E800] =	vst v63  }
0x80: {  	p0 =	sne.s32 s26, $0x4800;
	_ =	swait.ge [sflag:s19], $0x4000  }
0x81: {  	[sflag:s19] =	ssyncset.done $0x0  }
0x82: {  	s26 =	sadd.s32 $0x1400, s25;
	[sflag:s19] =	ssyncadd.s32 $0xFFFFC000  }
0x83: {  	[spmem:s1] =	stream.indirect.scatter.add.f32 [tilespmem:s17], [sflag:$0x3], $0x80, s26, s16, $0xb8;
	[tilespmem:$0x1E800] =	vst v63  }
0x84: {  	_ =	swait.ge [sflag:s14], $0x4000  }
0x85: {  	[sflag:s14] =	ssyncset.done $0x0  }
0x86: {  	s26 =	sadd.s32 $0x100, s25;
	[sflag:s14] =	ssyncadd.s32 $0xFFFFC000  }
0x87: {  	[tilespmem:s17], [sflag:$0x1] =	stream.indirect.gather [hbm4b:s4+s16], $0x80, s26, s16, $0xb8;
	[tilespmem:$0x1E800] =	vst v63  }
0x88: {  	_ =	swait.ge [sflag:s20], $0x4000  }
.Ltmp1:
0x89: {  	[sflag:s20] =	ssyncset.done $0x0;
	(pc) =	sbr.rel @p0 .LBB2_4-.Ltmp1, $4  }
0x8a: {  	s25 =	sadd.s32 $0x1480, s25;
	[sflag:s20] =	ssyncadd.s32 $0xFFFFC000  }
0x8b: {  	[spmem:s1] =	stream.indirect.scatter.add.f32 [tilespmem:s18], [sflag:$0x3], $0x80, s25, s16, $0xb8;
	[tilespmem:$0x1E800] =	vst v63  }
0x8c: {  	_ =	swait.ge [sflag:s14], $0x4000  }
0x8d: {  	s26 =	smov.u32 s30;
	s25 =	sshra.s32 s29, $0x2;
	[sflag:s14] =	ssyncset.done $0x0  }
0x8e: {  	s26 =	sadd.s32 $0x80, s25;
	[sflag:s14] =	ssyncadd.s32 $0xFFFFC000  }
0x8f: {  	[tilespmem:s18], [sflag:$0x2] =	stream.indirect.gather [hbm4b:s4+s16], $0x80, s26, s16, $0xb8;
	[tilespmem:$0x1E800] =	vst v63  }
0x90: {  	_ =	swait.ge [sflag:s19], $0x4000  }
0x91: {  	[sflag:s19] =	ssyncset.done $0x0  }
0x92: {  	s29 =	sadd.s32 $0x1400, s25;
	[sflag:s19] =	ssyncadd.s32 $0xFFFFC000  }
0x93: {  	[spmem:s1] =	stream.indirect.scatter.add.f32 [tilespmem:s17], [sflag:$0x3], $0x80, s29, s16, $0xb8;
	[tilespmem:$0x1E800] =	vst v63  }
0x94: {  	_ =	swait.ge [sflag:s14], $0x4000  }
0x95: {  	[sflag:s14] =	ssyncset.done $0x0  }
0x96: {  	s30 =	sadd.s32 $0x100, s25;
	[sflag:s14] =	ssyncadd.s32 $0xFFFFC000  }
0x97: {  	[tilespmem:s17], [sflag:$0x1] =	stream.indirect.gather [hbm4b:s4+s16], $0x80, s30, s16, $0xb8;
	[tilespmem:$0x1E800] =	vst v63  }
0x98: {  	_ =	swait.ge [sflag:s20], $0x4000  }
0x99: {  	[sflag:s20] =	ssyncset.done $0x0  }
0x9a: {  	s31 =	sadd.s32 $0x1480, s25;
	[sflag:s20] =	ssyncadd.s32 $0xFFFFC000  }
0x9b: {  	[spmem:s1] =	stream.indirect.scatter.add.f32 [tilespmem:s18], [sflag:$0x3], $0x80, s31, s16, $0xb8;
	[tilespmem:$0x1E800] =	vst v63  }
0x9c: {  	_ =	swait.ge [sflag:s14], $0x4000  }
0x9d: {  	[sflag:s14] =	ssyncset.done $0x0  }
0x9e: {  	[sflag:s14] =	ssyncadd.s32 $0xFFFFC000  }
0x9f: {  	[tilespmem:s18], [sflag:$0x2] =	stream.indirect.gather [hbm4b:s4+s16], $0x80, s21, s16, $0xb8;
	[tilespmem:$0x1E800] =	vst v63  }
0xa0: {  	_ =	swait.ge [sflag:s19], $0x4000  }
0xa1: {  	[sflag:s19] =	ssyncset.done $0x0  }
0xa2: {  	[sflag:s19] =	ssyncadd.s32 $0xFFFFC000  }
0xa3: {  	[spmem:s1] =	stream.indirect.scatter.add.f32 [tilespmem:s17], [sflag:$0x3], $0x80, s22, s16, $0xb8;
	[tilespmem:$0x1E800] =	vst v63  }
0xa4: {  	_ =	swait.ge [sflag:s14], $0x4000  }
0xa5: {  	[sflag:s14] =	ssyncset.done $0x0  }
0xa6: {  	[sflag:s14] =	ssyncadd.s32 $0xFFFFC000  }
0xa7: {  	_ =	swait.ge [sflag:s20], $0x4000  }
0xa8: {  	[sflag:s20] =	ssyncset.done $0x0  }
0xa9: {  	[sflag:s20] =	ssyncadd.s32 $0xFFFFC000  }
0xaa: {  	[spmem:s1] =	stream.indirect.scatter.add.f32 [tilespmem:s18], [sflag:$0x3], $0x80, s23, s16, $0xb8;
	[tilespmem:$0x1E800] =	vst v63  }
0xab: {  	_ =	swait.ge [sflag:s14], $0x4000  }
0xac: {  	s24 =	sadd.s32 $0x1, s24;
	[sflag:s14] =	ssyncset.done $0x0  }
0xad: {  	p0 =	sne.s32 s24, s12;
	[sflag:s14] =	ssyncadd.s32 $0xFFFFC000  }
.Ltmp2:
0xae: {  	[bflag:$0x0] =	sbarrier.arrive $0xFFFF;
	(pc) =	sbr.rel @p0 .LBB2_1-.Ltmp2, $4  }
0xaf: {  	[hbm:s11], [sflag:s6] =	dma.local [spmem:s13], $0x2800  }
0xb0: {  	_ =	swait.ge [sflag:s14], $0x2800  }
0xb1: {  	[sflag:s14] =	ssyncset.done $0x0  }
0xb2: {  	[sflag:s14] =	ssyncadd.s32 $0xFFFFD800  }
0xb3: {  	_ =	sfence.sel $0x180000  }
0xb4: {  	[bflag:$0x0] =	sbarrier.arrive $0xFFFF  }
0xb5: {  	p0 =	sne.s32 s2, $0x0;
	_ =	strace $0x9000004D  }
0xb6: {  	s0 =	sadd.s32 @!p0 $0x100000, s0;
	[bflag:$0x2] =	sbarrier.arrive $0xFFFF  }
0xb7: {  	[sflag:s0] =	ssyncadd.tile.s32 @!p0 $0x1;
	_ =	shalt  }
.Lfunc_end2:
_tile_overlayer_lowered:
.L_overlay_start_2:
0xb8: {  	(tag) =	ssettag $0x2  }
0xb9: {  	s0 =	rddreg [dreg:$0x0];
	s2 =	stileid.u32  }
0xba: {  	s1 =	rddreg [dreg:$0x1];
	p0 =	sne.s32 s2, $0x0  }
0xbb: {  	s3 =	rddreg [dreg:$0x2];
	[bflag:$0x3] =	sbarrier.arrive $0xFFFF;
	s2 =	simm.s32 @!p0 $0x1C03  }
0xbc: {  	[timem:s3], [sflag:s2] =	dma.local @!p0 [hbm:s0], s1  }
0xbd: {  	s0 =	simm.s32 @!p0 $0x3  }
0xbe: {  	_ =	swait.ge @!p0 [sflag:s0], s1  }
0xbf: {  	s1 =	ssub.s32 @!p0 $0x0, s1;
	[sflag:s0] =	ssyncset.done @!p0 $0x0  }
0xc0: {  	[sflag:s0] =	ssyncadd.s32 @!p0 s1  }
0xc1: {  	[bflag:$0x3] =	sbarrier.arrive $0xFFFF  }
0xc2: {  	_ =	shalt  }

// kernel: kernel.8.cloned.1.call-start
scs
__scs_entry_jumppad:
0x0: {  	(pc) =	sbr.rel $0x88, $3  }
0x1: {  	(tag) =	ssettag $0x0;
	lr =	simm.s32 $0x1  }
0x2: {  	[smem:$0x3F9B] =	sst lr;
	_ =	strace $0xD0000000  }
0x3: {  	_ = 	snop  }
0x4: {  	_ = 	snop  }
0x5: {  	_ = 	snop  }
0x6: {  	_ = 	snop  }
0x7: {  	_ = 	snop  }
__scs_overlays_trampoline_lowered:
0x8: {  	[smem:$0x3FAA] =	sst s0  }
0x9: {  	[smem:$0x3FAB] =	sst s1  }
0xa: {  	[smem:$0x3FAC] =	sst s2  }
0xb: {  	[smem:$0x3FAD] =	sst s3  }
0xc: {  	[smem:$0x3FAE] =	sst s4  }
0xd: {  	[smem:$0x3FAF] =	sst s5  }
0xe: {  	[smem:$0x3FB0] =	sst s6  }
0xf: {  	[smem:$0x3FB1] =	sst s7  }
0x10: {  	[smem:$0x3FB2] =	sst s8  }
0x11: {  	[smem:$0x3FB3] =	sst s9;
	s0 =	simm.s32 @!p0 $0x0  }
0x12: {  	s1 =	sld [smem:$0x3F99];
	s0 =	simm.s32 @p0 $0x1  }
0x13: {  	[smem:$0x3FB4] =	sst s0;
	s0 =	simm.s32 @!p1 $0x0  }
0x14: {  	s2 =	sld [smem:$0x3F98];
	s0 =	simm.s32 @p1 $0x1  }
0x15: {  	[smem:$0x3FB5] =	sst s0;
	s0 =	simm.s32 @!p2 $0x0  }
0x16: {  	s3 =	sld [smem:$0x3FDB];
	s0 =	simm.s32 @p2 $0x1  }
0x17: {  	s4 =	simm.s32 $0x1BF5;
	[smem:$0x3FB7] =	sst s0  }
0x18: {  	s0 =	sld [smem:$0x3F9A];
	_ =	swait.ge [sflag:s4], $0x0  }
0x19: {  	s7 =	sld [smem:$0x3F9B]  }
0x1a: {  	s8 =	sadd.s32 $0xFFFFE003, lr  }
0x1b: {  	s9 =	sadd.s32 $0xFFFFFEF7, lr;
	s5 =	simm.s32 $0xFFFFFFFF;
	p2 =	slt.u32 s8, $0xFFFFF086  }
0x1c: {  	p1 =	slt.u32 s9, $0xF7A;
	s5 =	simm.s32 @!p2 $0x0  }
0x1d: {  	s5 =	simm.s32 @p1 $0x1;
	p0 =	seq.s32 s7, s2  }
0x1e: {  	s7 =	smul.u32 @!p0 $0xF7A, s2;
	p2 =	seq.s32 @!p0 s5, $0x0  }
0x1f: {  	s9 =	smul.u32 $0xF7A, s1;
	s8 =	simm.s32 @!p0 $0x1BF5;
	p2 =	por !p2, p0  }
0x20: {  	[sflag:s8] =	ssyncset.s32 @!p0 $0xFFFFF086;
	s6 =	sadd.s32 @!p0 s3, s7;
	s7 =	simm.s32 @!p0 $0x108  }
0x21: {  	s3 =	sadd.s32 s3, s9;
	s6 =	sadd.s32 @!p0 $0x88, s6;
	s7 =	simm.s32 @p2 $0x1082  }
0x22: {  	[simem:s7], [sflag:s8] =	dma.local @!p0 [hbm:s6], $0xF7A  }
0x23: {  	s9 =	sor.u32 $0xD0000000, s2;
	s6 =	simm.s32 $0x108;
	_ =	swait.ge @!p0 [sflag:s8], $0x0  }
0x24: {  	s3 =	sadd.s32 $0x88, s3;
	s6 =	simm.s32 @!p1 $0x1082;
	[sflag:s4] =	ssyncset.s32 $0xFFFFF086  }
0x25: {  	[simem:s6], [sflag:s4] =	dma.local [hbm:s3], $0xF7A  }
0x26: {  	[smem:$0x3F9B] =	sst s1;
	(tag) =	ssettag s2;
	_ =	strace s9  }
0x27: {  	s1 =	sld [smem:$0x3FAB]  }
0x28: {  	s2 =	sld [smem:$0x3FAC]  }
0x29: {  	s4 =	sld [smem:$0x3FAE]  }
0x2a: {  	p0 =	seq.s32 s5, $0x0;
	s5 =	sld [smem:$0x3FAF]  }
0x2b: {  	s6 =	sld [smem:$0x3FB0]  }
0x2c: {  	s7 =	sld [smem:$0x3FB1]  }
0x2d: {  	s3 =	simm.s32 $0x108;
	s8 =	sld [smem:$0x3FB2]  }
0x2e: {  	s3 =	simm.s32 @!p0 $0x1082;
	s9 =	sld [smem:$0x3FB3]  }
0x2f: {  	lr =	sadd.s32 s0, s3;
	s0 =	sld [smem:$0x3FAA]  }
0x30: {  	s3 =	sld [smem:$0x3FAD]  }
0x31: {  	[smem:$0x3FB6] =	sst s10  }
0x32: {  	s10 =	sld [smem:$0x3FB4];
	_ =	sdelay $0x3  }
0x33: {  	p0 =	seq.s32 s10, $0x1;
	s10 =	sld [smem:$0x3FB6];
	_ =	sdelay $0x3  }
0x34: {  	[smem:$0x3FB6] =	sst s10  }
0x35: {  	s10 =	sld [smem:$0x3FB5];
	_ =	sdelay $0x3  }
0x36: {  	p1 =	seq.s32 s10, $0x1;
	s10 =	sld [smem:$0x3FB6];
	_ =	sdelay $0x3  }
0x37: {  	[smem:$0x3FB6] =	sst s10  }
0x38: {  	s10 =	sld [smem:$0x3FB7]  }
0x39: {  	_ = 	snop;
	(pc) =	sbr.ind lr, $3  }
0x3a: {  	_ = 	snop  }
0x3b: {  	_ = 	snop  }
0x3c: {  	p2 =	seq.s32 s10, $0x1;
	s10 =	sld [smem:$0x3FB6]  }
0x3d: {  	_ =	shalt  }
0x3e: {  	_ =	shalt  }
0x3f: {  	_ =	shalt  }
0x40: {  	_ =	shalt  }
0x41: {  	_ =	shalt  }
0x42: {  	_ =	shalt  }
0x43: {  	_ =	shalt  }
0x44: {  	_ =	shalt  }
0x45: {  	_ =	shalt  }
0x46: {  	_ =	shalt  }
0x47: {  	_ =	shalt  }
0x48: {  	_ =	shalt  }
0x49: {  	_ =	shalt  }
0x4a: {  	_ =	shalt  }
0x4b: {  	_ =	shalt  }
0x4c: {  	_ =	shalt  }
0x4d: {  	_ =	shalt  }
0x4e: {  	_ =	shalt  }
0x4f: {  	_ =	shalt  }
0x50: {  	_ =	shalt  }
0x51: {  	_ =	shalt  }
0x52: {  	_ =	shalt  }
0x53: {  	_ =	shalt  }
0x54: {  	_ =	shalt  }
0x55: {  	_ =	shalt  }
0x56: {  	_ =	shalt  }
0x57: {  	_ =	shalt  }
0x58: {  	_ =	shalt  }
0x59: {  	_ =	shalt  }
0x5a: {  	_ =	shalt  }
0x5b: {  	_ =	shalt  }
0x5c: {  	_ =	shalt  }
0x5d: {  	_ =	shalt  }
0x5e: {  	_ =	shalt  }
0x5f: {  	_ =	shalt  }
0x60: {  	_ =	shalt  }
0x61: {  	_ =	shalt  }
0x62: {  	_ =	shalt  }
0x63: {  	_ =	shalt  }
0x64: {  	_ =	shalt  }
0x65: {  	_ =	shalt  }
0x66: {  	_ =	shalt  }
0x67: {  	_ =	shalt  }
0x68: {  	_ =	shalt  }
0x69: {  	_ =	shalt  }
0x6a: {  	_ =	shalt  }
0x6b: {  	_ =	shalt  }
0x6c: {  	_ =	shalt  }
0x6d: {  	_ =	shalt  }
0x6e: {  	_ =	shalt  }
0x6f: {  	_ =	shalt  }
0x70: {  	_ =	shalt  }
0x71: {  	_ =	shalt  }
0x72: {  	_ =	shalt  }
0x73: {  	_ =	shalt  }
0x74: {  	_ =	shalt  }
0x75: {  	_ =	shalt  }
0x76: {  	_ =	shalt  }
0x77: {  	_ =	shalt  }
0x78: {  	_ =	shalt  }
0x79: {  	_ =	shalt  }
0x7a: {  	_ =	shalt  }
0x7b: {  	_ =	shalt  }
0x7c: {  	_ =	shalt  }
0x7d: {  	_ =	shalt  }
0x7e: {  	_ =	shalt  }
0x7f: {  	_ =	shalt  }
0x80: {  	_ =	shalt  }
0x81: {  	_ =	shalt  }
0x82: {  	_ =	shalt  }
0x83: {  	_ =	shalt  }
0x84: {  	_ =	shalt  }
0x85: {  	_ =	shalt  }
0x86: {  	_ =	shalt  }
0x87: {  	_ =	shalt  }
.Lfunc_end0:
.L_simem_size_0:
called_computation_lowered:
.L_overlay_start_0:
0x88: {  	s2 =	sld [smem:$0x3FD9]  }
0x89: {  	s3 =	sld [smem:$0x3FFE];
	_ =	sdelay $0x1  }
0x8a: {  	s1 =	srdreg.scid  }
0x8b: {  	s0 =	sand.u32 $0x1, s1  }
0x8c: {  	s14 =	sshll.u32 s0, $0xA;
	s2 =	sadd.s32 s3, s2  }
0x8d: {  	s2 =	sadd.s32 s2, s14  }
0x8e: {  	[smem:$0x3FC2] =	sst s2  }
0x8f: {  	_ = 	snop  }
0x90: {  	s2 =	sld [smem:$0x3FD0];
	_ =	sdelay $0x2  }
0x91: {  	s15 =	simm.s32 $0xA;
	s4 =	simm.s32 $0x10  }
0x92: {  	[smem:s4], [sflag:s15] =	dma.local [hbm:s2], $0x1  }
0x93: {  	_ =	swait.eq [sflag:s15], $0x1  }
0x94: {  	[sflag:s15] =	ssyncset.done $0x0  }
0x95: {  	[sflag:s15] =	ssyncadd.s32 $0xFFFFFFFF  }
0x96: {  	s16 =	sld [smem:$0x11];
	(tm) =	ssettm $0x1  }
0x97: {  	s17 =	sld [smem:$0x3FFB];
	_ =	sdelay $0x3  }
0x98: {  	_ =	strace s17  }
0x99: {  	s3 =	sld [smem:$0x3FFC];
	_ =	sdelay $0x3  }
0x9a: {  	_ =	strace s3  }
0x9b: {  	s3 =	sld [smem:$0x3FFD];
	_ =	sdelay $0x3  }
0x9c: {  	_ =	strace s3  }
0x9d: {  	_ =	strace $0x8FFFFFFF  }
0x9e: {  	s18 =	sld [smem:$0x3FDB];
	_ =	sdelay $0x1  }
0x9f: {  	s19 =	simm.s32 $_scs_section_size  }
0xa0: {  	s5 =	simm.s32 $_size__tile_overlayer_lowered;
	s6 =	simm.s32 $_tile_overlayer_lowered  }
0xa1: {  	s22 =	simm.s32 $0x1BFF;
	s21 =	sshll.u32 s6, $0x1;
	s3 =	sadd.s32 s19, s18  }
0xa2: {  	s7 =	simm.s32 $0x0;
	s20 =	sshll.u32 s5, $0x1;
	s5 =	sadd.s32 s21, s3  }
0xa3: {  	[timem:s7], [sflag:s22] =	dma.local [hbm:s5], s20  }
0xa4: {  	_ =	swait.ge [sflag:s22], s20  }
0xa5: {  	s4 =	ssub.s32 $0x0, s20;
	[sflag:s22] =	ssyncset.done $0x0  }
0xa6: {  	[sflag:s22] =	ssyncadd.s32 s4;
	_ =	sdelay $0x1  }
0xa7: {  	s23 =	simm.s32 $0x1B8B  }
0xa8: {  	_ =	swait.ge [sflag:s23], $0x1  }
0xa9: {  	[sflag:s23] =	ssyncset.done $0x0  }
0xaa: {  	s25 =	simm.s32 $0x1B8E;
	s24 =	sld [smem:$0x3FFE];
	[sflag:s23] =	ssyncadd.s32 $0xFFFFFFFF  }
0xab: {  	s26 =	simm.s32 $execute0_lowered;
	[smem:$0x3FD2] =	sst s25  }
0xac: {  	s5 =	sshll.u32 s26, $0x1;
	_ =	strace $0x80000046;
	[dreg:$0x1] =	wrdreg $0xFFFFFFFF  }
0xad: {  	s28 =	simm.s32 $_size_execute0_lowered;
	s3 =	sadd.s32 s3, s5;
	[dreg:$0x0] =	wrdreg $0x0  }
0xae: {  	s5 =	sshll.u32 s28, $0x1;
	[dreg:$0x2] =	wrdreg s3  }
0xaf: {  	[dreg:$0x3] =	wrdreg s5  }
0xb0: {  	[dreg:$0x4] =	wrdreg $0xC0  }
0xb1: {  	_ =	task [dreg:s7], $0x5FFFF  }
0xb2: {  	[dreg:$0x1] =	wrdreg $0xFFFFFFFF  }
0xb3: {  	[dreg:$0x0] =	wrdreg $0x60  }
0xb4: {  	[dreg:$0x2] =	wrdreg s16  }
0xb5: {  	[dreg:$0x3] =	wrdreg s24  }
0xb6: {  	[dreg:$0x4] =	wrdreg $0x68000  }
0xb7: {  	[dreg:$0x5] =	wrdreg $0x9  }
0xb8: {  	_ =	task.clear_ibuf [dreg:s7], $0x6FFFF;
	_ =	strace $0x90000046  }
0xb9: {  	s29 =	simm.s32 $0x9;
	_ =	strace $0x80000048  }
0xba: {  	_ =	swait.ge [sflag:s29], $0x1  }
0xbb: {  	[sflag:s29] =	ssyncadd.s32 $0xFFFFFFFF  }
0xbc: {  	_ =	strace $0x90000048  }
0xbd: {  	_ =	sfence  }
0xbe: {  	s30 =	sld [smem:$0x0];
	_ =	sdelay $0x2  }
0xbf: {  	s31 =	sshll.u32 s1, $0xD;
	s1 =	sshrl.u32 s1, $0x2  }
0xc0: {  	s3 =	sand.u32 $0x4000, s31;
	s1 =	sadd.s32 s1, s30  }
0xc1: {  	s0 =	sor.u32 s3, s0;
	s1 =	sshll.u32 s1, $0x11  }
0xc2: {  	s0 =	sor.u32 s1, s0  }
0xc3: {  	s0 =	sadd.s32 $0x8F2B, s0  }
0xc4: {  	[sflag:s0] =	ssyncadd.remote.s32 $0x1  }
0xc5: {  	_ =	sfence.sel $0xFFFF  }
0xc6: {  	[dreg:$0x0] =	wrdreg $0xFFFFFFFF;
	(pc) =	sbr.abs _section_cstart, $3  }
0xc7: {  	[dreg:$0x1] =	wrdreg $0xFFFFFFFF  }
0xc8: {  	_ =	task.clear_ibuf [dreg:s7], $0x2FFFF;
	_ =	strace $0x9FFFFFFF  }
0xc9: {  	(tm) =	ssettm $0x7FFFFFFF  }
tec
execute0_lowered:
.L_overlay_start_1:
0x0: {  	(tag) =	ssettag $0x1  }
0x1: {  	s6 =	rddreg [dreg:$0x0]  }
0x2: {  	s7 =	rddreg [dreg:$0x1];
	s2 =	srdreg.scid  }
0x3: {  	s1 =	rddreg [dreg:$0x2];
	s8 =	sand.u32 $0x1, s2  }
0x4: {  	s2 =	stileid.u32;
	s5 =	smul.u32 $0x140000, s8  }
0x5: {  	s0 =	rddreg [dreg:$0x3];
	s3 =	simm.s32 $0x0;
	s9 =	smul.u32 $0x14000, s2  }
0x6: {  	s13 =	simm.s32 $0x80;
	s14 =	simm.s32 $0x0;
	s10 =	smul.u32 $0x28000, s8  }
0x7: {  	[smem:$0x7FF] =	sst s3;
	s4 =	sadd.s32 $0x4A00, s7;
	s11 =	smul.u32 $0x2800, s2  }
0x8: {  	_ =	strace $0x80000047;
	s12 =	smul.u32 $0x50000, s2;
	s8 =	ssub.s32 $0x2, s8  }
0x9: {  	s31 =	sshll.u32 s2, $0x6;
	s29 =	sshrl.u32 s8, $0x1;
	s9 =	sadd.s32 s9, s5  }
0xa: {  	s5 =	sadd.s32 $0x2200, s7;
	s28 =	sadd.s32 s11, s10;
	s30 =	sshrl.u32 s12, $0x2  }
0xb: {  	s8 =	ssub.s32 s8, s29;
	s10 =	simm.s32 $0x1;
	s11 =	sor.u32 $0x1C01, s31  }
0xc: {  	s9 =	sshrl.u32 s9, $0x3;
	s12 =	sadd.s32 s30, s1;
	s8 =	smax.u32 s8, $0x1  }
0xd: {  	s7 =	sadd.s32 s9, s7;
	s9 =	sshrl.u32 s28, $0x3;
	s12 =	sshrl.u32 s12, $0x3  }
0xe: {  	s6 =	sadd.s32 s6, s9;
	s7 =	sadd.s32 $0x5200, s7;
	s9 =	simm.s32 $0x2800  }
.LBB2_1:
0xf: {  	[tilespmem:s9], [sflag:$0x1] =	stream.linear.gather [hbm4b:s4+s3], $0x4000, $0x38;
	[tilespmem:$0x1A800] =	vst v63  }
0x10: {  	_ =	swait.ge [sflag:s10], $0x4000  }
0x11: {  	[sflag:s10] =	ssyncset.done $0x0  }
0x12: {  	[sflag:s10] =	ssyncadd.s32 $0xFFFFC000  }
0x13: {  	[spmem:s12], [sflag:s11] =	dma.local [hbm:s5], $0x2800  }
0x14: {  	_ =	swait.ge [sflag:s10], $0x2800  }
0x15: {  	[sflag:s10] =	ssyncset.done $0x0  }
0x16: {  	[sflag:s10] =	ssyncadd.s32 $0xFFFFD800  }
0x17: {  	[tilespmem:s3], [sflag:$0x1] =	stream.linear.gather [hbm4b:s6+s3], $0x2800, $0x38;
	[tilespmem:$0x1A800] =	vst v63  }
0x18: {  	_ =	swait.ge [sflag:s10], $0x2800  }
0x19: {  	[sflag:s10] =	ssyncset.done $0x0  }
0x1a: {  	[sflag:s10] =	ssyncadd.s32 $0xFFFFD800  }
0x1b: {  	s15 =	simm.s32 $0x0;
	[bflag:$0x0] =	sbarrier.arrive $0xFFFF  }
0x1c: {  	[spmem:s1] =	stream.indirect.scatter.add.f32 [tilespmem:s9], [sflag:$0x1], $0x80, s15, s13, $0xb8;
	[tilespmem:$0x1A800] =	vst v63  }
0x1d: {  	_ =	swait.ge [sflag:s10], $0x4000  }
0x1e: {  	s15 =	simm.s32 $0x200;
	[sflag:s10] =	ssyncset.done $0x0  }
.LBB2_2:
0x1f: {  	s16 =	sshra.s32 s15, $0x2;
	[sflag:s10] =	ssyncadd.s32 $0xFFFFC000;
	p0 =	sne.s32 s15, $0x9E00  }
0x20: {  	[spmem:s1] =	stream.indirect.scatter.add.f32 [tilespmem:s9], [sflag:$0x1], $0x80, s16, s13, $0xb8;
	[tilespmem:$0x1A800] =	vst v63  }
.Ltmp0:
0x21: {  	_ = 	snop;
	(pc) =	sbr.rel @p0 .LBB2_2-.Ltmp0, $4  }
0x22: {  	_ = 	snop  }
0x23: {  	s15 =	sadd.s32 $0x200, s15  }
0x24: {  	_ =	swait.ge [sflag:s10], $0x4000  }
0x25: {  	[sflag:s10] =	ssyncset.done $0x0  }
0x26: {  	s14 =	sadd.s32 $0x1, s14  }
0x27: {  	[sflag:s10] =	ssyncadd.s32 $0xFFFFC000;
	p0 =	sne.s32 s14, s8  }
.Ltmp1:
0x28: {  	[bflag:$0x0] =	sbarrier.arrive $0xFFFF;
	(pc) =	sbr.rel @p0 .LBB2_1-.Ltmp1, $4  }
0x29: {  	[hbm:s7], [sflag:s11] =	dma.local [spmem:s12], $0x2800  }
0x2a: {  	_ =	swait.ge [sflag:s10], $0x2800  }
0x2b: {  	[sflag:s10] =	ssyncset.done $0x0  }
0x2c: {  	[sflag:s10] =	ssyncadd.s32 $0xFFFFD800  }
0x2d: {  	_ =	sfence.sel $0x180000  }
0x2e: {  	[bflag:$0x0] =	sbarrier.arrive $0xFFFF  }
0x2f: {  	p0 =	sne.s32 s2, $0x0;
	_ =	strace $0x90000047  }
0x30: {  	s0 =	sadd.s32 @!p0 $0x100000, s0;
	[bflag:$0x2] =	sbarrier.arrive $0xFFFF  }
0x31: {  	[sflag:s0] =	ssyncadd.tile.s32 @!p0 $0x1;
	_ =	shalt  }
.Lfunc_end2:
_tile_overlayer_lowered:
.L_overlay_start_2:
0x32: {  	(tag) =	ssettag $0x2  }
0x33: {  	s0 =	rddreg [dreg:$0x0];
	s2 =	stileid.u32  }
0x34: {  	s1 =	rddreg [dreg:$0x1];
	p0 =	sne.s32 s2, $0x0  }
0x35: {  	s3 =	rddreg [dreg:$0x2];
	[bflag:$0x3] =	sbarrier.arrive $0xFFFF;
	s2 =	simm.s32 @!p0 $0x1C01  }
0x36: {  	[timem:s3], [sflag:s2] =	dma.local @!p0 [hbm:s0], s1  }
0x37: {  	s0 =	simm.s32 @!p0 $0x1  }
0x38: {  	_ =	swait.ge @!p0 [sflag:s0], s1  }
0x39: {  	s1 =	ssub.s32 @!p0 $0x0, s1;
	[sflag:s0] =	ssyncset.done @!p0 $0x0  }
0x3a: {  	[sflag:s0] =	ssyncadd.s32 @!p0 s1  }
0x3b: {  	[bflag:$0x3] =	sbarrier.arrive $0xFFFF  }
0x3c: {  	_ =	shalt  }

</sc_bundles>
